<compile_context>
chip_gen: v7x
topology: tpu7x:2x2x1
jax: 0.10.2.dev20260603
libtpu: 0.0.44.dev20260713+nightly
codegen_flags: <defaults>
</compile_context>

<pallas_src>
import functools

import jax
import jax.numpy as jnp
from jax import lax
from jax.experimental import pallas as pl
from jax.experimental.pallas import tpu as pltpu
from jax.experimental.pallas import tpu_sc as plsc

H = 8
D = 32
C = 3
NH = 3
BLOCK = 128
KW = 8
HASH_DIM = D + C
TW = 128
QP = 48
OP = 128
GB = 4
FT = 256


def _attn_body(sq_ref, skv_ref, out_ref):
    for g in range(GB):
        q = sq_ref[g * BLOCK:(g + 1) * BLOCK, :QP]
        kv = skv_ref[g * BLOCK:(g + 1) * BLOCK, :]
        k = kv[:, QP:2 * QP]
        v = kv[:, 2 * QP:TW]
        d = lax.dot_general(q, k, (((1,), (1,)), ((), ())),
                            preferred_element_type=jnp.float32)
        qsq = -0.5 * jnp.sum(q * q, axis=1, keepdims=True)
        ksqt = -0.5 * lax.dot_general(jnp.ones((1, QP), jnp.float32), k * k,
                                      (((1,), (1,)), ((), ())),
                                      preferred_element_type=jnp.float32,
                                      precision=lax.Precision.HIGHEST)
        a = jnp.exp(jnp.minimum(d + qsq + ksqt, 0.0))
        denom = jnp.sum(a, axis=1, keepdims=True) + 1e-20
        so = lax.dot_general(a, v, (((1,), (0,)), ((), ())),
                             preferred_element_type=jnp.float32)
        pad = jnp.zeros((BLOCK, OP - D - 1), jnp.float32)
        out_ref[g * BLOCK:(g + 1) * BLOCK, :] = jnp.concatenate(
            [so, denom, pad], axis=1)


def _fin_body(o_ref, w_ref, b_ref, out_ref):
    acc = None
    for h in range(H):
        x = o_ref[h] + o_ref[H + h] + o_ref[2 * H + h]
        r = x[:, :D] / x[:, D:D + 1]
        p = lax.dot_general(r, w_ref[h * D:(h + 1) * D, :],
                            (((1,), (0,)), ((), ())),
                            preferred_element_type=jnp.float32)
        acc = p if acc is None else acc + p
    out_ref[...] = acc + b_ref[...]


def _tc_attention(s_q, s_kv):
    r = s_q.shape[0]
    nblk = r // BLOCK
    return pl.pallas_call(
        _attn_body,
        grid=(nblk // GB,),
        in_specs=[pl.BlockSpec((GB * BLOCK, TW), lambda i: (i, 0)),
                  pl.BlockSpec((GB * BLOCK, TW), lambda i: (i, 0))],
        out_specs=pl.BlockSpec((GB * BLOCK, OP), lambda i: (i, 0)),
        out_shape=jax.ShapeDtypeStruct((r, OP), jnp.float32),
    )(s_q, s_kv)


def _tc_finalize(o3, wt, out_b):
    n = o3.shape[1]
    return pl.pallas_call(
        _fin_body,
        grid=(n // FT,),
        in_specs=[pl.BlockSpec((NH * H, FT, OP), lambda i: (0, i, 0)),
                  pl.BlockSpec((H * D, D), lambda i: (0, 0)),
                  pl.BlockSpec((1, D), lambda i: (0, 0))],
        out_specs=pl.BlockSpec((FT, D), lambda i: (i, 0)),
        out_shape=jax.ShapeDtypeStruct((n, D), jnp.float32),
    )(o3, wt, out_b.reshape(1, D))


def _sc_gather(tab, qidx, kidx):
    r = qidx.shape[0]
    info = plsc.get_sparse_core_info()
    nw = info.num_cores * info.num_subcores
    per_w = r // nw
    n_chunks = per_w // BLOCK
    mesh = plsc.VectorSubcoreMesh(core_axis_name="c", subcore_axis_name="s")

    @functools.partial(
        pl.kernel,
        out_type=(jax.ShapeDtypeStruct((r, TW), jnp.float32),
                  jax.ShapeDtypeStruct((r, TW), jnp.float32)),
        mesh=mesh,
        scratch_types=[pltpu.VMEM((BLOCK,), jnp.int32),
                       pltpu.VMEM((BLOCK,), jnp.int32),
                       pltpu.VMEM((BLOCK, TW), jnp.float32),
                       pltpu.VMEM((BLOCK, TW), jnp.float32),
                       pltpu.SemaphoreType.DMA],
    )
    def gather_k(tab_h, qidx_h, kidx_h, sq_out, skv_out,
                 qidx_v, kidx_v, qrow_v, kvrow_v, sem):
        wid = lax.axis_index("s") * info.num_cores + lax.axis_index("c")
        base0 = wid * per_w

        def body(i, carry):
            base = base0 + i * BLOCK
            pltpu.sync_copy(qidx_h.at[pl.ds(base, BLOCK)], qidx_v)
            pltpu.sync_copy(kidx_h.at[pl.ds(base, BLOCK)], kidx_v)
            c1 = pltpu.async_copy(tab_h.at[qidx_v], qrow_v, sem)
            c2 = pltpu.async_copy(tab_h.at[kidx_v], kvrow_v, sem)
            c1.wait()
            c2.wait()
            pltpu.sync_copy(qrow_v, sq_out.at[pl.ds(base, BLOCK)])
            pltpu.sync_copy(kvrow_v, skv_out.at[pl.ds(base, BLOCK)])
            return carry

        lax.fori_loop(0, n_chunks, body, 0)

    return gather_k(tab, qidx, kidx)


def _sc_scatter(so_flat, sidx2d):
    r = so_flat.shape[0]
    info = plsc.get_sparse_core_info()
    nw = info.num_cores * info.num_subcores
    n_chunks = (r // BLOCK) // nw
    mesh = plsc.VectorSubcoreMesh(core_axis_name="c", subcore_axis_name="s")

    @functools.partial(
        pl.kernel,
        out_type=jax.ShapeDtypeStruct((r, OP), jnp.float32),
        mesh=mesh,
        scratch_types=[pltpu.VMEM((BLOCK,), jnp.int32),
                       pltpu.VMEM((BLOCK, OP), jnp.float32),
                       pltpu.SemaphoreType.DMA],
    )
    def scatter_k(so_h, sidx_h, o_out, idx_v, row_v, sem):
        wid = lax.axis_index("s") * info.num_cores + lax.axis_index("c")
        g0 = wid * n_chunks

        def body(i, carry):
            g = g0 + i
            pltpu.sync_copy(so_h.at[pl.ds(g * BLOCK, BLOCK)], row_v)
            pltpu.sync_copy(sidx_h.at[g], idx_v)
            pltpu.async_copy(row_v, o_out.at[idx_v], sem).wait()
            return carry

        lax.fori_loop(0, n_chunks, body, 0)

    return scatter_k(so_flat, sidx2d)


def kernel(query, key, value, w_rpe_weight, coords, bins_h, bin_indices_eta,
           bin_indices_phi, raw_size, alpha, out_w, out_b):
    n = query.shape[0]
    q = query.reshape(n, H, D)
    k = key.reshape(n, H, D)
    v = value.reshape(n, H, D)

    w = w_rpe_weight.reshape(H, D, -1, KW)
    qw = jnp.exp(jnp.minimum(w.sum(axis=1), 50.0)).sum(axis=-1)
    new_qw = jnp.concatenate([qw[:, :1], qw], axis=-1)
    sqrt_w_r = jnp.sqrt(2.0 * new_qw)[None] * coords[:, None]

    q_hat = jnp.concatenate([q, sqrt_w_r], axis=-1).transpose(1, 0, 2)
    k_hat = jnp.concatenate([k, sqrt_w_r], axis=-1).transpose(1, 0, 2)
    v_t = v.transpose(1, 0, 2)
    mask = jnp.arange(n) < raw_size
    q_hat = jnp.where(mask[None, :, None], q_hat, 0.0)
    k_hat = jnp.where(mask[None, :, None], k_hat, 0.0)
    v_t = jnp.where(mask[None, :, None], v_t, 0.0)

    q_hashed = jnp.einsum('hnd,hdk->khn', q_hat, alpha)
    k_hashed = jnp.einsum('hnd,hdk->khn', k_hat, alpha)
    hash_shift = (jnp.maximum(q_hashed.max(), k_hashed.max())
                  - jnp.minimum(q_hashed.min(), k_hashed.min()))
    q_hashed = jnp.where(mask[None, None, :], q_hashed, jnp.inf)
    k_hashed = jnp.where(mask[None, None, :], k_hashed, jnp.inf)
    bie = bin_indices_eta.astype(jnp.float32)
    bip = bin_indices_phi.astype(jnp.float32)
    shift_eta = bie * hash_shift
    shift_phi = bip * hash_shift * (jnp.ceil(bins_h[0])[:, None] + 1.0)
    combined = (shift_phi + shift_eta).reshape(NH, H, n)
    q_pos = jnp.argsort(q_hashed + combined, axis=-1).astype(jnp.int32)
    k_pos = jnp.argsort(k_hashed + combined, axis=-1).astype(jnp.int32)

    zq = jnp.zeros((H, n, QP - HASH_DIM), jnp.float32)
    tab = jnp.concatenate([q_hat, zq, k_hat, zq, v_t],
                          axis=-1).reshape(H * n, TW)

    hbase = (jnp.arange(H, dtype=jnp.int32) * n)[None, :, None]
    qidx = (q_pos + hbase).reshape(-1)
    kidx = (k_pos + hbase).reshape(-1)
    nhbase = ((jnp.arange(NH, dtype=jnp.int32)[:, None, None] * H)
              + jnp.arange(H, dtype=jnp.int32)[None, :, None]) * n
    sidx = (q_pos + nhbase).reshape(-1, BLOCK)

    s_q, s_kv = _sc_gather(tab, qidx, kidx)
    so_flat = _tc_attention(s_q, s_kv)
    o_uns = _sc_scatter(so_flat, sidx)
    out = _tc_finalize(o_uns.reshape(NH * H, n, OP), out_w.T, out_b)
    return out

# --- scband reference (transcript-rebuilt; emitter-appended) ---
"""Pipeline reference for scband-heptattention-68470368633242 (READ-ONLY COPY).

The authoritative reference and input builder live on the scoring server;
editing this copy changes nothing except your own understanding.
"""

import jax, jax.numpy as jnp
import numpy as np

H = 8
D = 32
C = 3
NH = 3
BLOCK = 128
KW = 8
N = 16384
HASH_DIM = D + C
RAW_SIZE = 15000


def _sort_to_buckets(x, perm, bs):
    # x: [H, N, d], perm: [NH, H, N]
    vals = jnp.broadcast_to(x[None], (perm.shape[0],) + x.shape)
    idx = jnp.broadcast_to(perm[..., None], vals.shape)
    s = jnp.take_along_axis(vals, idx, axis=2)
    nb = x.shape[1] // bs
    return s.reshape(perm.shape[0], x.shape[0], nb, bs, x.shape[2])


def _unsort_from_buckets(s_x, perm_inv):
    nh, h, nb, bs, d = s_x.shape
    b_x = s_x.reshape(nh, h, nb * bs, d)
    idx = jnp.broadcast_to(perm_inv[..., None], b_x.shape)
    return jnp.take_along_axis(b_x, idx, axis=2)


def _forward(query, key, value, w_rpe_weight, coords, bins_h, alpha, out_w, out_b, bin_indices_eta, bin_indices_phi, raw_size):
    n = query.shape[0]
    q = query.reshape(n, H, D)
    k = key.reshape(n, H, D)
    v = value.reshape(n, H, D)
    # prep_qk
    w = w_rpe_weight.reshape(H, D, -1, KW)  # h d r k
    qw = jnp.exp(jnp.minimum(w.sum(axis=1), 50.0)).sum(axis=-1)  # [H, R]
    new_qw = jnp.concatenate([qw[:, :1], qw], axis=-1)  # [H, C]
    sqrt_w_r = jnp.sqrt(2.0 * new_qw)[None] * coords[:, None]  # [N, H, C]
    q_hat = jnp.concatenate([q, sqrt_w_r], axis=-1).transpose(1, 0, 2)  # [H, N, D+C]
    k_hat = jnp.concatenate([k, sqrt_w_r], axis=-1).transpose(1, 0, 2)
    v_t = v.transpose(1, 0, 2)  # [H, N, D]
    mask = jnp.arange(n) < raw_size
    q_hat = jnp.where(mask[None, :, None], q_hat, 0.0)
    k_hat = jnp.where(mask[None, :, None], k_hat, 0.0)
    v_t = jnp.where(mask[None, :, None], v_t, 0.0)
    # lsh_clustering (no-grad in original)
    qh_in = jax.lax.stop_gradient(q_hat)
    kh_in = jax.lax.stop_gradient(k_hat)
    q_hashed = jnp.einsum('hnd,hdk->khn', qh_in, alpha)  # [NH, H, N]
    k_hashed = jnp.einsum('hnd,hdk->khn', kh_in, alpha)
    hash_shift = jnp.maximum(q_hashed.max(), k_hashed.max()) - jnp.minimum(q_hashed.min(), k_hashed.min())
    q_hashed = jnp.where(mask[None, None, :], q_hashed, jnp.inf)
    k_hashed = jnp.where(mask[None, None, :], k_hashed, jnp.inf)
    # get_geo_shift
    bie = bin_indices_eta.astype(jnp.float32)  # [NH*H, N]
    bip = bin_indices_phi.astype(jnp.float32)
    shift_eta = bie * hash_shift
    shift_phi = bip * hash_shift * (jnp.ceil(bins_h[0])[:, None] + 1.0)
    combined = (shift_phi + shift_eta).reshape(NH, H, n)  # same for q and k
    q_hashed = q_hashed + combined
    k_hashed = k_hashed + combined
    q_pos = jnp.argsort(q_hashed, axis=-1)  # [NH, H, N]
    k_pos = jnp.argsort(k_hashed, axis=-1)
    s_q = _sort_to_buckets(q_hat, q_pos, BLOCK)  # [NH, H, nb, bs, D+C]
    s_k = _sort_to_buckets(k_hat, k_pos, BLOCK)
    s_v = _sort_to_buckets(v_t, k_pos, BLOCK)  # [NH, H, nb, bs, D]
    # qkv_res
    q_sq_05 = -0.5 * (s_q ** 2).sum(axis=-1, keepdims=True)
    k_sq_05 = -0.5 * (s_k ** 2).sum(axis=-1, keepdims=True)
    dists = jnp.einsum('...id,...jd->...ij', s_q, s_k)
    dists = jnp.exp(jnp.minimum(dists + q_sq_05 + jnp.swapaxes(k_sq_05, -1, -2), 0.0))
    denom = dists.sum(axis=-1, keepdims=True) + 1e-20
    so = jnp.einsum('...ij,...jd->...id', dists, s_v)
    # unsort
    q_rev = jnp.argsort(q_pos, axis=-1)  # inverse permutation
    o = _unsort_from_buckets(so, q_rev)  # [NH, H, N, D]
    logits = _unsort_from_buckets(denom, q_rev)  # [NH, H, N, 1]
    out = o.sum(axis=0) / logits.sum(axis=0)  # [H, N, D]
    out = out.transpose(1, 0, 2).reshape(n, H * D)
    return out @ out_w.T + out_b


def setup_inputs():
    k0 = jax.random.key(0)
    ks = jax.random.split(k0, 12)
    query = jax.random.normal(ks[0], (N, H * D), dtype=jnp.float32)
    key = jax.random.normal(ks[1], (N, H * D), dtype=jnp.float32)
    value = jax.random.normal(ks[2], (N, H * D), dtype=jnp.float32)
    w_rpe_weight = jax.random.normal(ks[3], (H * D, 2 * KW), dtype=jnp.float32) * 0.1
    coords = jax.random.uniform(ks[4], (N, C), dtype=jnp.float32)
    bins_h = jax.random.uniform(ks[5], (1, NH * H), dtype=jnp.float32) * 10.0
    bin_indices_eta = jax.random.randint(ks[6], (NH * H, N), 0, 20)
    bin_indices_phi = jax.random.randint(ks[7], (NH * H, N), 0, 20)
    alpha = jax.random.normal(ks[8], (H, HASH_DIM, NH), dtype=jnp.float32)
    out_w = jax.random.normal(ks[9], (D, H * D), dtype=jnp.float32) * (1.0 / np.sqrt(H * D))
    out_b = jnp.zeros((D,), dtype=jnp.float32)
    return {"query": query, "key": key, "value": value, "w_rpe_weight": w_rpe_weight, "coords": coords, "bins_h": bins_h, "bin_indices_eta": bin_indices_eta, "bin_indices_phi": bin_indices_phi, "raw_size": RAW_SIZE, "alpha": alpha, "out_w": out_w, "out_b": out_b}


def reference(query, key, value, w_rpe_weight, coords, bins_h, bin_indices_eta, bin_indices_phi, raw_size, alpha, out_w, out_b):
    return _forward(query, key, value, w_rpe_weight, coords, bins_h, alpha, out_w, out_b, bin_indices_eta, bin_indices_phi, raw_size)

if __name__ == "__main__":
    import jax
    _d = setup_inputs()
    print(jax.jit(kernel)(*tuple(_d.values())))

</pallas_src>

<mosaic_0001>
#map = affine_map<(d0, d1) -> (0, 0)>
module attributes {stable_mosaic.version = 14 : i64} {
  func.func @scatter_k(%arg0: i32, %arg1: i32, %arg2: memref<393216x128xf32, #tpu.memory_space<hbm>>, %arg3: memref<3072x128xi32, #tpu.memory_space<hbm>>, %arg4: memref<393216x128xf32, #tpu.memory_space<hbm>>, %arg5: memref<128xi32, #tpu.memory_space<vmem>>, %arg6: memref<128x128xf32, #tpu.memory_space<vmem>>, %arg7: memref<!tpu.dma_semaphore, #tpu.memory_space<semaphore_mem>>) attributes {dimension_semantics = [#tpu.dimension_semantics<core_parallel>, #tpu.dimension_semantics<subcore_parallel>], iteration_bounds = array<i64: 2, 16>, scalar_prefetch = 0 : i64, scratch_operands = 3 : i64, tpu.core_type = #tpu.core_type<sc_vector_subcore>, window_params = [{transform_indices = #map}, {transform_indices = #map}, {transform_indices = #map}]} {
    %mul3A = arith.constant 2 : i32
    %mul3A_0 = arith.muli %arg1, %mul3A : i32
    %add3A = arith.addi %mul3A_0, %arg0 : i32
    %mul3A_1 = arith.constant 96 : i32
    %mul3A_2 = arith.muli %add3A, %mul3A_1 : i32
    %scan3A = arith.constant 0 : i32
    %scan3A_3 = arith.constant 0 : i32
    %scan3A_4 = arith.constant 96 : i32
    %scan3A_5 = arith.addi %scan3A_3, %scan3A_4 : i32
    %scan3A_6 = arith.constant 1 : i32
    scf.for %scan3A_8 = %scan3A_3 to %scan3A_5 step %scan3A_6  : i32 {
      %add3A_9 = arith.addi %mul3A_2, %scan3A_8 : i32
      %mul3A_10 = arith.constant 128 : i32
      %mul3A_11 = arith.muli %add3A_9, %mul3A_10 : i32
      "tpu.region"() ({
        %run_scoped3A = tpu.sem_alloc : memref<!tpu.dma_semaphore, #tpu.memory_space<semaphore_mem>>
        %dma_start3A_16 = arith.constant 0 : i32
        %dma_start3A_17 = tpu.memref_slice %arg2[%mul3A_11, %dma_start3A_16] : memref<393216x128xf32, #tpu.memory_space<hbm>> -> memref<128x128xf32, #tpu.memory_space<hbm>>
        %dma_start3A_18 = arith.constant 0 : i32
        %dma_start3A_19 = tpu.memref_slice %arg2[%mul3A_11, %dma_start3A_18] : memref<393216x128xf32, #tpu.memory_space<hbm>> -> memref<128x128xf32, #tpu.memory_space<hbm>>
        tpu.enqueue_dma source(%dma_start3A_19 : memref<128x128xf32, #tpu.memory_space<hbm>>) target(%arg6 : memref<128x128xf32, #tpu.memory_space<vmem>>) target_semaphore(%run_scoped3A : memref<!tpu.dma_semaphore, #tpu.memory_space<semaphore_mem>>)
        %dma_wait3A_20 = arith.constant 0 : i32
        %dma_wait3A_21 = tpu.memref_slice %arg2[%mul3A_11, %dma_wait3A_20] : memref<393216x128xf32, #tpu.memory_space<hbm>> -> memref<128x128xf32, #tpu.memory_space<hbm>>
        %dma_wait3A_22 = arith.constant 0 : i32
        %dma_wait3A_23 = tpu.memref_slice %arg2[%mul3A_11, %dma_wait3A_22] : memref<393216x128xf32, #tpu.memory_space<hbm>> -> memref<128x128xf32, #tpu.memory_space<hbm>>
        tpu.wait_dma2 semaphore(%run_scoped3A : memref<!tpu.dma_semaphore, #tpu.memory_space<semaphore_mem>>) src(%dma_wait3A_23 : memref<128x128xf32, #tpu.memory_space<hbm>>) dst(%arg6 : memref<128x128xf32, #tpu.memory_space<vmem>>)
        tpu.yield
      }) : () -> ()
      "tpu.region"() ({
        %run_scoped3A = tpu.sem_alloc : memref<!tpu.dma_semaphore, #tpu.memory_space<semaphore_mem>>
        %dma_start3A_16 = arith.constant 0 : i32
        %dma_start3A_17 = tpu.memref_slice %arg3[%add3A_9, %dma_start3A_16] : memref<3072x128xi32, #tpu.memory_space<hbm>> -> memref<1x128xi32, #tpu.memory_space<hbm>>
        %dma_start3A_18 = tpu.memref_squeeze %dma_start3A_17 : memref<1x128xi32, #tpu.memory_space<hbm>> -> memref<128xi32, #tpu.memory_space<hbm>>
        %dma_start3A_19 = arith.constant 0 : i32
        %dma_start3A_20 = tpu.memref_slice %arg3[%add3A_9, %dma_start3A_19] : memref<3072x128xi32, #tpu.memory_space<hbm>> -> memref<1x128xi32, #tpu.memory_space<hbm>>
        %dma_start3A_21 = tpu.memref_squeeze %dma_start3A_20 : memref<1x128xi32, #tpu.memory_space<hbm>> -> memref<128xi32, #tpu.memory_space<hbm>>
        tpu.enqueue_dma source(%dma_start3A_21 : memref<128xi32, #tpu.memory_space<hbm>>) target(%arg5 : memref<128xi32, #tpu.memory_space<vmem>>) target_semaphore(%run_scoped3A : memref<!tpu.dma_semaphore, #tpu.memory_space<semaphore_mem>>)
        %dma_wait3A_22 = arith.constant 0 : i32
        %dma_wait3A_23 = tpu.memref_slice %arg3[%add3A_9, %dma_wait3A_22] : memref<3072x128xi32, #tpu.memory_space<hbm>> -> memref<1x128xi32, #tpu.memory_space<hbm>>
        %dma_wait3A_24 = tpu.memref_squeeze %dma_wait3A_23 : memref<1x128xi32, #tpu.memory_space<hbm>> -> memref<128xi32, #tpu.memory_space<hbm>>
        %dma_wait3A_25 = arith.constant 0 : i32
        %dma_wait3A_26 = tpu.memref_slice %arg3[%add3A_9, %dma_wait3A_25] : memref<3072x128xi32, #tpu.memory_space<hbm>> -> memref<1x128xi32, #tpu.memory_space<hbm>>
        %dma_wait3A_27 = tpu.memref_squeeze %dma_wait3A_26 : memref<1x128xi32, #tpu.memory_space<hbm>> -> memref<128xi32, #tpu.memory_space<hbm>>
        tpu.wait_dma2 semaphore(%run_scoped3A : memref<!tpu.dma_semaphore, #tpu.memory_space<semaphore_mem>>) src(%dma_wait3A_27 : memref<128xi32, #tpu.memory_space<hbm>>) dst(%arg5 : memref<128xi32, #tpu.memory_space<vmem>>)
        tpu.yield
      }) : () -> ()
      %dma_start3A = arith.constant 0 : i32
      %dma_start3A_12 = arith.constant 0 : i32
      %dma_start3A_13 = tpu.memref_slice %arg4[%dma_start3A, %dma_start3A_12] : memref<393216x128xf32, #tpu.memory_space<hbm>> -> memref<393216x128xf32, #tpu.memory_space<hbm>>
      tpu.enqueue_indirect_dma source(%arg6 : memref<128x128xf32, #tpu.memory_space<vmem>>) target(%dma_start3A_13 : memref<393216x128xf32, #tpu.memory_space<hbm>>) offsets(%arg5 : memref<128xi32, #tpu.memory_space<vmem>>) semaphore(%arg7 : memref<!tpu.dma_semaphore, #tpu.memory_space<semaphore_mem>>)
      %dma_wait3A = arith.constant 0 : i32
      %dma_wait3A_14 = arith.constant 0 : i32
      %dma_wait3A_15 = tpu.memref_slice %arg4[%dma_wait3A, %dma_wait3A_14] : memref<393216x128xf32, #tpu.memory_space<hbm>> -> memref<393216x128xf32, #tpu.memory_space<hbm>>
      tpu.wait_indirect_dma semaphore(%arg7 : memref<!tpu.dma_semaphore, #tpu.memory_space<semaphore_mem>>) src(%arg6 : memref<128x128xf32, #tpu.memory_space<vmem>>) dst(%dma_wait3A_15 : memref<393216x128xf32, #tpu.memory_space<hbm>>)
    }
    %scan3A_7 = arith.constant 96 : i32
    return
  }
}

#map = affine_map<(d0, d1) -> (0, 0)>
#map1 = affine_map<(d0, d1) -> (0)>
module attributes {stable_mosaic.version = 14 : i64} {
  func.func @gather_k(%arg0: i32, %arg1: i32, %arg2: memref<131072x128xf32, #tpu.memory_space<hbm>>, %arg3: memref<393216xi32, #tpu.memory_space<hbm>>, %arg4: memref<393216xi32, #tpu.memory_space<hbm>>, %arg5: memref<393216x128xf32, #tpu.memory_space<hbm>>, %arg6: memref<393216x128xf32, #tpu.memory_space<hbm>>, %arg7: memref<128xi32, #tpu.memory_space<vmem>>, %arg8: memref<128xi32, #tpu.memory_space<vmem>>, %arg9: memref<128x128xf32, #tpu.memory_space<vmem>>, %arg10: memref<128x128xf32, #tpu.memory_space<vmem>>, %arg11: memref<!tpu.dma_semaphore, #tpu.memory_space<semaphore_mem>>) attributes {dimension_semantics = [#tpu.dimension_semantics<core_parallel>, #tpu.dimension_semantics<subcore_parallel>], iteration_bounds = array<i64: 2, 16>, scalar_prefetch = 0 : i64, scratch_operands = 5 : i64, tpu.core_type = #tpu.core_type<sc_vector_subcore>, window_params = [{transform_indices = #map}, {transform_indices = #map1}, {transform_indices = #map1}, {transform_indices = #map}, {transform_indices = #map}]} {
    %mul3A = arith.constant 2 : i32
    %mul3A_0 = arith.muli %arg1, %mul3A : i32
    %add3A = arith.addi %mul3A_0, %arg0 : i32
    %mul3A_1 = arith.constant 12288 : i32
    %mul3A_2 = arith.muli %add3A, %mul3A_1 : i32
    %scan3A = arith.constant 0 : i32
    %scan3A_3 = arith.constant 0 : i32
    %scan3A_4 = arith.constant 96 : i32
    %scan3A_5 = arith.addi %scan3A_3, %scan3A_4 : i32
    %scan3A_6 = arith.constant 1 : i32
    scf.for %scan3A_8 = %scan3A_3 to %scan3A_5 step %scan3A_6  : i32 {
      %mul3A_9 = arith.constant 128 : i32
      %mul3A_10 = arith.muli %scan3A_8, %mul3A_9 : i32
      %add3A_11 = arith.addi %mul3A_2, %mul3A_10 : i32
      "tpu.region"() ({
        %run_scoped3A = tpu.sem_alloc : memref<!tpu.dma_semaphore, #tpu.memory_space<semaphore_mem>>
        %dma_start3A_22 = tpu.memref_slice %arg3[%add3A_11] : memref<393216xi32, #tpu.memory_space<hbm>> -> memref<128xi32, #tpu.memory_space<hbm>>
        %dma_start3A_23 = tpu.memref_slice %arg3[%add3A_11] : memref<393216xi32, #tpu.memory_space<hbm>> -> memref<128xi32, #tpu.memory_space<hbm>>
        tpu.enqueue_dma source(%dma_start3A_23 : memref<128xi32, #tpu.memory_space<hbm>>) target(%arg7 : memref<128xi32, #tpu.memory_space<vmem>>) target_semaphore(%run_scoped3A : memref<!tpu.dma_semaphore, #tpu.memory_space<semaphore_mem>>)
        %dma_wait3A_24 = tpu.memref_slice %arg3[%add3A_11] : memref<393216xi32, #tpu.memory_space<hbm>> -> memref<128xi32, #tpu.memory_space<hbm>>
        %dma_wait3A_25 = tpu.memref_slice %arg3[%add3A_11] : memref<393216xi32, #tpu.memory_space<hbm>> -> memref<128xi32, #tpu.memory_space<hbm>>
        tpu.wait_dma2 semaphore(%run_scoped3A : memref<!tpu.dma_semaphore, #tpu.memory_space<semaphore_mem>>) src(%dma_wait3A_25 : memref<128xi32, #tpu.memory_space<hbm>>) dst(%arg7 : memref<128xi32, #tpu.memory_space<vmem>>)
        tpu.yield
      }) : () -> ()
      "tpu.region"() ({
        %run_scoped3A = tpu.sem_alloc : memref<!tpu.dma_semaphore, #tpu.memory_space<semaphore_mem>>
        %dma_start3A_22 = tpu.memref_slice %arg4[%add3A_11] : memref<393216xi32, #tpu.memory_space<hbm>> -> memref<128xi32, #tpu.memory_space<hbm>>
        %dma_start3A_23 = tpu.memref_slice %arg4[%add3A_11] : memref<393216xi32, #tpu.memory_space<hbm>> -> memref<128xi32, #tpu.memory_space<hbm>>
        tpu.enqueue_dma source(%dma_start3A_23 : memref<128xi32, #tpu.memory_space<hbm>>) target(%arg8 : memref<128xi32, #tpu.memory_space<vmem>>) target_semaphore(%run_scoped3A : memref<!tpu.dma_semaphore, #tpu.memory_space<semaphore_mem>>)
        %dma_wait3A_24 = tpu.memref_slice %arg4[%add3A_11] : memref<393216xi32, #tpu.memory_space<hbm>> -> memref<128xi32, #tpu.memory_space<hbm>>
        %dma_wait3A_25 = tpu.memref_slice %arg4[%add3A_11] : memref<393216xi32, #tpu.memory_space<hbm>> -> memref<128xi32, #tpu.memory_space<hbm>>
        tpu.wait_dma2 semaphore(%run_scoped3A : memref<!tpu.dma_semaphore, #tpu.memory_space<semaphore_mem>>) src(%dma_wait3A_25 : memref<128xi32, #tpu.memory_space<hbm>>) dst(%arg8 : memref<128xi32, #tpu.memory_space<vmem>>)
        tpu.yield
      }) : () -> ()
      %dma_start3A = arith.constant 0 : i32
      %dma_start3A_12 = arith.constant 0 : i32
      %dma_start3A_13 = tpu.memref_slice %arg2[%dma_start3A, %dma_start3A_12] : memref<131072x128xf32, #tpu.memory_space<hbm>> -> memref<131072x128xf32, #tpu.memory_space<hbm>>
      tpu.enqueue_indirect_dma source(%dma_start3A_13 : memref<131072x128xf32, #tpu.memory_space<hbm>>) target(%arg9 : memref<128x128xf32, #tpu.memory_space<vmem>>) offsets(%arg7 : memref<128xi32, #tpu.memory_space<vmem>>) semaphore(%arg11 : memref<!tpu.dma_semaphore, #tpu.memory_space<semaphore_mem>>)
      %dma_start3A_14 = arith.constant 0 : i32
      %dma_start3A_15 = arith.constant 0 : i32
      %dma_start3A_16 = tpu.memref_slice %arg2[%dma_start3A_14, %dma_start3A_15] : memref<131072x128xf32, #tpu.memory_space<hbm>> -> memref<131072x128xf32, #tpu.memory_space<hbm>>
      tpu.enqueue_indirect_dma source(%dma_start3A_16 : memref<131072x128xf32, #tpu.memory_space<hbm>>) target(%arg10 : memref<128x128xf32, #tpu.memory_space<vmem>>) offsets(%arg8 : memref<128xi32, #tpu.memory_space<vmem>>) semaphore(%arg11 : memref<!tpu.dma_semaphore, #tpu.memory_space<semaphore_mem>>)
      %dma_wait3A = arith.constant 0 : i32
      %dma_wait3A_17 = arith.constant 0 : i32
      %dma_wait3A_18 = tpu.memref_slice %arg2[%dma_wait3A, %dma_wait3A_17] : memref<131072x128xf32, #tpu.memory_space<hbm>> -> memref<131072x128xf32, #tpu.memory_space<hbm>>
      tpu.wait_indirect_dma semaphore(%arg11 : memref<!tpu.dma_semaphore, #tpu.memory_space<semaphore_mem>>) src(%dma_wait3A_18 : memref<131072x128xf32, #tpu.memory_space<hbm>>) dst(%arg9 : memref<128x128xf32, #tpu.memory_space<vmem>>)
      %dma_wait3A_19 = arith.constant 0 : i32
      %dma_wait3A_20 = arith.constant 0 : i32
      %dma_wait3A_21 = tpu.memref_slice %arg2[%dma_wait3A_19, %dma_wait3A_20] : memref<131072x128xf32, #tpu.memory_space<hbm>> -> memref<131072x128xf32, #tpu.memory_space<hbm>>
      tpu.wait_indirect_dma semaphore(%arg11 : memref<!tpu.dma_semaphore, #tpu.memory_space<semaphore_mem>>) src(%dma_wait3A_21 : memref<131072x128xf32, #tpu.memory_space<hbm>>) dst(%arg10 : memref<128x128xf32, #tpu.memory_space<vmem>>)
      "tpu.region"() ({
        %run_scoped3A = tpu.sem_alloc : memref<!tpu.dma_semaphore, #tpu.memory_space<semaphore_mem>>
        %dma_start3A_22 = arith.constant 0 : i32
        %dma_start3A_23 = tpu.memref_slice %arg5[%add3A_11, %dma_start3A_22] : memref<393216x128xf32, #tpu.memory_space<hbm>> -> memref<128x128xf32, #tpu.memory_space<hbm>>
        %dma_start3A_24 = arith.constant 0 : i32
        %dma_start3A_25 = tpu.memref_slice %arg5[%add3A_11, %dma_start3A_24] : memref<393216x128xf32, #tpu.memory_space<hbm>> -> memref<128x128xf32, #tpu.memory_space<hbm>>
        tpu.enqueue_dma source(%arg9 : memref<128x128xf32, #tpu.memory_space<vmem>>) target(%dma_start3A_25 : memref<128x128xf32, #tpu.memory_space<hbm>>) target_semaphore(%run_scoped3A : memref<!tpu.dma_semaphore, #tpu.memory_space<semaphore_mem>>)
        %dma_wait3A_26 = arith.constant 0 : i32
        %dma_wait3A_27 = tpu.memref_slice %arg5[%add3A_11, %dma_wait3A_26] : memref<393216x128xf32, #tpu.memory_space<hbm>> -> memref<128x128xf32, #tpu.memory_space<hbm>>
        %dma_wait3A_28 = arith.constant 0 : i32
        %dma_wait3A_29 = tpu.memref_slice %arg5[%add3A_11, %dma_wait3A_28] : memref<393216x128xf32, #tpu.memory_space<hbm>> -> memref<128x128xf32, #tpu.memory_space<hbm>>
        tpu.wait_dma2 semaphore(%run_scoped3A : memref<!tpu.dma_semaphore, #tpu.memory_space<semaphore_mem>>) src(%arg9 : memref<128x128xf32, #tpu.memory_space<vmem>>) dst(%dma_wait3A_29 : memref<128x128xf32, #tpu.memory_space<hbm>>)
        tpu.yield
      }) : () -> ()
      "tpu.region"() ({
        %run_scoped3A = tpu.sem_alloc : memref<!tpu.dma_semaphore, #tpu.memory_space<semaphore_mem>>
        %dma_start3A_22 = arith.constant 0 : i32
        %dma_start3A_23 = tpu.memref_slice %arg6[%add3A_11, %dma_start3A_22] : memref<393216x128xf32, #tpu.memory_space<hbm>> -> memref<128x128xf32, #tpu.memory_space<hbm>>
        %dma_start3A_24 = arith.constant 0 : i32
        %dma_start3A_25 = tpu.memref_slice %arg6[%add3A_11, %dma_start3A_24] : memref<393216x128xf32, #tpu.memory_space<hbm>> -> memref<128x128xf32, #tpu.memory_space<hbm>>
        tpu.enqueue_dma source(%arg10 : memref<128x128xf32, #tpu.memory_space<vmem>>) target(%dma_start3A_25 : memref<128x128xf32, #tpu.memory_space<hbm>>) target_semaphore(%run_scoped3A : memref<!tpu.dma_semaphore, #tpu.memory_space<semaphore_mem>>)
        %dma_wait3A_26 = arith.constant 0 : i32
        %dma_wait3A_27 = tpu.memref_slice %arg6[%add3A_11, %dma_wait3A_26] : memref<393216x128xf32, #tpu.memory_space<hbm>> -> memref<128x128xf32, #tpu.memory_space<hbm>>
        %dma_wait3A_28 = arith.constant 0 : i32
        %dma_wait3A_29 = tpu.memref_slice %arg6[%add3A_11, %dma_wait3A_28] : memref<393216x128xf32, #tpu.memory_space<hbm>> -> memref<128x128xf32, #tpu.memory_space<hbm>>
        tpu.wait_dma2 semaphore(%run_scoped3A : memref<!tpu.dma_semaphore, #tpu.memory_space<semaphore_mem>>) src(%arg10 : memref<128x128xf32, #tpu.memory_space<vmem>>) dst(%dma_wait3A_29 : memref<128x128xf32, #tpu.memory_space<hbm>>)
        tpu.yield
      }) : () -> ()
    }
    %scan3A_7 = arith.constant 96 : i32
    return
  }
}

module attributes {stable_mosaic.version = 14 : i64} {
  func.func @_attn_body(%arg0: i32, %arg1: memref<512x128xf32, #tpu.memory_space<vmem>>, %arg2: memref<512x128xf32, #tpu.memory_space<vmem>>, %arg3: memref<512x128xf32, #tpu.memory_space<vmem>>) attributes {dimension_semantics = [#tpu.dimension_semantics<arbitrary>], iteration_bounds = array<i64: 768>, scalar_prefetch = 0 : i64, scratch_operands = 0 : i64, tpu.core_type = #tpu.core_type<tc>, window_params = [{transform_indices = @transform_0, window_bounds = array<i64: 512, 128>}, {transform_indices = @transform_1, window_bounds = array<i64: 512, 128>}, {transform_indices = @transform_2, window_bounds = array<i64: 512, 128>}]} {
    %get3A = arith.constant 0 : index
    %get3A_0 = arith.constant 0 : index
    %get3A_1 = vector.load %arg1[%get3A, %get3A_0] : memref<512x128xf32, #tpu.memory_space<vmem>>, vector<128x48xf32>
    %get3A_2 = arith.constant 0 : index
    %get3A_3 = arith.constant 0 : index
    %get3A_4 = vector.load %arg2[%get3A_2, %get3A_3] : memref<512x128xf32, #tpu.memory_space<vmem>>, vector<128x128xf32>
    %slice3A = vector.extract_strided_slice %get3A_4 {offsets = [0, 48], sizes = [128, 48], strides = [1, 1]} : vector<128x128xf32> to vector<128x48xf32>
    %slice3A_5 = vector.extract_strided_slice %get3A_4 {offsets = [0, 96], sizes = [128, 32], strides = [1, 1]} : vector<128x128xf32> to vector<128x32xf32>
    %dot_general3A = arith.constant dense<0.000000e+00> : vector<128x128xf32>
    %dot_general3A_6 = tpu.matmul %get3A_1, %slice3A, %dot_general3A {dimension_numbers = #tpu.dot_dimension_numbers<[1], [1], [0], [0], [0, 0, 1, 0], [], []>, transpose_lhs_hint = false} : vector<128x48xf32>, vector<128x48xf32>, vector<128x128xf32> -> vector<128x128xf32>
    %mul3A = arith.mulf %get3A_1, %get3A_1 : vector<128x48xf32>
    %reduce_sum3A = arith.constant dense<0.000000e+00> : vector<128xf32>
    %reduce_sum3A_7 = vector.multi_reduction <add>, %mul3A, %reduce_sum3A [1] : vector<128x48xf32> to vector<128xf32>
    %broadcast_in_dim3A = vector.shape_cast %reduce_sum3A_7 : vector<128xf32> to vector<128x1xf32>
    %mul3A_8 = arith.constant -5.000000e-01 : f32
    %mul3A_9 = vector.broadcast %mul3A_8 : f32 to vector<128x1xf32>
    %mul3A_10 = arith.mulf %mul3A_9, %broadcast_in_dim3A : vector<128x1xf32>
    %broadcast_in_dim3A_11 = arith.constant 1.000000e+00 : f32
    %broadcast_in_dim3A_12 = vector.broadcast %broadcast_in_dim3A_11 : f32 to vector<1x48xf32>
    %mul3A_13 = arith.mulf %slice3A, %slice3A : vector<128x48xf32>
    %dot_general3A_14 = arith.constant dense<0.000000e+00> : vector<1x128xf32>
    %dot_general3A_15 = tpu.matmul %broadcast_in_dim3A_12, %mul3A_13, %dot_general3A_14 {dimension_numbers = #tpu.dot_dimension_numbers<[1], [1], [0], [0], [0, 0, 1, 0], [], []>, precision = #tpu.contract_precision<fp32>, transpose_lhs_hint = false} : vector<1x48xf32>, vector<128x48xf32>, vector<1x128xf32> -> vector<1x128xf32>
    %mul3A_16 = arith.constant -5.000000e-01 : f32
    %mul3A_17 = vector.broadcast %mul3A_16 : f32 to vector<1x128xf32>
    %mul3A_18 = arith.mulf %mul3A_17, %dot_general3A_15 : vector<1x128xf32>
    %add3A = vector.broadcast %mul3A_10 : vector<128x1xf32> to vector<128x128xf32>
    %add3A_19 = arith.addf %dot_general3A_6, %add3A : vector<128x128xf32>
    %add3A_20 = vector.broadcast %mul3A_18 : vector<1x128xf32> to vector<128x128xf32>
    %add3A_21 = arith.addf %add3A_19, %add3A_20 : vector<128x128xf32>
    %min3A = arith.constant 0.000000e+00 : f32
    %min3A_22 = vector.broadcast %min3A : f32 to vector<128x128xf32>
    %min3A_23 = arith.minimumf %add3A_21, %min3A_22 : vector<128x128xf32>
    %exp3A = math.exp %min3A_23 : vector<128x128xf32>
    %reduce_sum3A_24 = arith.constant dense<0.000000e+00> : vector<128xf32>
    %reduce_sum3A_25 = vector.multi_reduction <add>, %exp3A, %reduce_sum3A_24 [1] : vector<128x128xf32> to vector<128xf32>
    %broadcast_in_dim3A_26 = vector.shape_cast %reduce_sum3A_25 : vector<128xf32> to vector<128x1xf32>
    %add3A_27 = arith.constant 9.99999968E-21 : f32
    %add3A_28 = vector.broadcast %add3A_27 : f32 to vector<128x1xf32>
    %add3A_29 = arith.addf %broadcast_in_dim3A_26, %add3A_28 : vector<128x1xf32>
    %dot_general3A_30 = arith.constant dense<0.000000e+00> : vector<128x32xf32>
    %dot_general3A_31 = tpu.matmul %exp3A, %slice3A_5, %dot_general3A_30 {dimension_numbers = #tpu.dot_dimension_numbers<[1], [0], [0], [1], [0, 0, 1, 1], [], []>, transpose_lhs_hint = false} : vector<128x128xf32>, vector<128x32xf32>, vector<128x32xf32> -> vector<128x32xf32>
    %broadcast_in_dim3A_32 = arith.constant 0.000000e+00 : f32
    %broadcast_in_dim3A_33 = vector.broadcast %broadcast_in_dim3A_32 : f32 to vector<128x95xf32>
    %concatenate3A = tpu.concatenate %dot_general3A_31, %add3A_29, %broadcast_in_dim3A_33 in 1 : vector<128x32xf32>, vector<128x1xf32>, vector<128x95xf32> -> vector<128x128xf32>
    %swap3A = arith.constant 0 : index
    %swap3A_34 = arith.constant 0 : index
    %swap3A_35 = vector.load %arg3[%swap3A, %swap3A_34] : memref<512x128xf32, #tpu.memory_space<vmem>>, vector<128x128xf32>
    tpu.vector_store %arg3[%swap3A, %swap3A_34], %concatenate3A {strides = array<i32>} : memref<512x128xf32, #tpu.memory_space<vmem>>, vector<128x128xf32>,
    %get3A_36 = arith.constant 128 : index
    %get3A_37 = arith.constant 0 : index
    %get3A_38 = vector.load %arg1[%get3A_36, %get3A_37] : memref<512x128xf32, #tpu.memory_space<vmem>>, vector<128x48xf32>
    %get3A_39 = arith.constant 128 : index
    %get3A_40 = arith.constant 0 : index
    %get3A_41 = vector.load %arg2[%get3A_39, %get3A_40] : memref<512x128xf32, #tpu.memory_space<vmem>>, vector<128x128xf32>
    %slice3A_42 = vector.extract_strided_slice %get3A_41 {offsets = [0, 48], sizes = [128, 48], strides = [1, 1]} : vector<128x128xf32> to vector<128x48xf32>
    %slice3A_43 = vector.extract_strided_slice %get3A_41 {offsets = [0, 96], sizes = [128, 32], strides = [1, 1]} : vector<128x128xf32> to vector<128x32xf32>
    %dot_general3A_44 = arith.constant dense<0.000000e+00> : vector<128x128xf32>
    %dot_general3A_45 = tpu.matmul %get3A_38, %slice3A_42, %dot_general3A_44 {dimension_numbers = #tpu.dot_dimension_numbers<[1], [1], [0], [0], [0, 0, 1, 0], [], []>, transpose_lhs_hint = false} : vector<128x48xf32>, vector<128x48xf32>, vector<128x128xf32> -> vector<128x128xf32>
    %mul3A_46 = arith.mulf %get3A_38, %get3A_38 : vector<128x48xf32>
    %reduce_sum3A_47 = arith.constant dense<0.000000e+00> : vector<128xf32>
    %reduce_sum3A_48 = vector.multi_reduction <add>, %mul3A_46, %reduce_sum3A_47 [1] : vector<128x48xf32> to vector<128xf32>
    %broadcast_in_dim3A_49 = vector.shape_cast %reduce_sum3A_48 : vector<128xf32> to vector<128x1xf32>
    %mul3A_50 = arith.constant -5.000000e-01 : f32
    %mul3A_51 = vector.broadcast %mul3A_50 : f32 to vector<128x1xf32>
    %mul3A_52 = arith.mulf %mul3A_51, %broadcast_in_dim3A_49 : vector<128x1xf32>
    %broadcast_in_dim3A_53 = arith.constant 1.000000e+00 : f32
    %broadcast_in_dim3A_54 = vector.broadcast %broadcast_in_dim3A_53 : f32 to vector<1x48xf32>
    %mul3A_55 = arith.mulf %slice3A_42, %slice3A_42 : vector<128x48xf32>
    %dot_general3A_56 = arith.constant dense<0.000000e+00> : vector<1x128xf32>
    %dot_general3A_57 = tpu.matmul %broadcast_in_dim3A_54, %mul3A_55, %dot_general3A_56 {dimension_numbers = #tpu.dot_dimension_numbers<[1], [1], [0], [0], [0, 0, 1, 0], [], []>, precision = #tpu.contract_precision<fp32>, transpose_lhs_hint = false} : vector<1x48xf32>, vector<128x48xf32>, vector<1x128xf32> -> vector<1x128xf32>
    %mul3A_58 = arith.constant -5.000000e-01 : f32
    %mul3A_59 = vector.broadcast %mul3A_58 : f32 to vector<1x128xf32>
    %mul3A_60 = arith.mulf %mul3A_59, %dot_general3A_57 : vector<1x128xf32>
    %add3A_61 = vector.broadcast %mul3A_52 : vector<128x1xf32> to vector<128x128xf32>
    %add3A_62 = arith.addf %dot_general3A_45, %add3A_61 : vector<128x128xf32>
    %add3A_63 = vector.broadcast %mul3A_60 : vector<1x128xf32> to vector<128x128xf32>
    %add3A_64 = arith.addf %add3A_62, %add3A_63 : vector<128x128xf32>
    %min3A_65 = arith.constant 0.000000e+00 : f32
    %min3A_66 = vector.broadcast %min3A_65 : f32 to vector<128x128xf32>
    %min3A_67 = arith.minimumf %add3A_64, %min3A_66 : vector<128x128xf32>
    %exp3A_68 = math.exp %min3A_67 : vector<128x128xf32>
    %reduce_sum3A_69 = arith.constant dense<0.000000e+00> : vector<128xf32>
    %reduce_sum3A_70 = vector.multi_reduction <add>, %exp3A_68, %reduce_sum3A_69 [1] : vector<128x128xf32> to vector<128xf32>
    %broadcast_in_dim3A_71 = vector.shape_cast %reduce_sum3A_70 : vector<128xf32> to vector<128x1xf32>
    %add3A_72 = arith.constant 9.99999968E-21 : f32
    %add3A_73 = vector.broadcast %add3A_72 : f32 to vector<128x1xf32>
    %add3A_74 = arith.addf %broadcast_in_dim3A_71, %add3A_73 : vector<128x1xf32>
    %dot_general3A_75 = arith.constant dense<0.000000e+00> : vector<128x32xf32>
    %dot_general3A_76 = tpu.matmul %exp3A_68, %slice3A_43, %dot_general3A_75 {dimension_numbers = #tpu.dot_dimension_numbers<[1], [0], [0], [1], [0, 0, 1, 1], [], []>, transpose_lhs_hint = false} : vector<128x128xf32>, vector<128x32xf32>, vector<128x32xf32> -> vector<128x32xf32>
    %broadcast_in_dim3A_77 = arith.constant 0.000000e+00 : f32
    %broadcast_in_dim3A_78 = vector.broadcast %broadcast_in_dim3A_77 : f32 to vector<128x95xf32>
    %concatenate3A_79 = tpu.concatenate %dot_general3A_76, %add3A_74, %broadcast_in_dim3A_78 in 1 : vector<128x32xf32>, vector<128x1xf32>, vector<128x95xf32> -> vector<128x128xf32>
    %swap3A_80 = arith.constant 128 : index
    %swap3A_81 = arith.constant 0 : index
    %swap3A_82 = vector.load %arg3[%swap3A_80, %swap3A_81] : memref<512x128xf32, #tpu.memory_space<vmem>>, vector<128x128xf32>
    tpu.vector_store %arg3[%swap3A_80, %swap3A_81], %concatenate3A_79 {strides = array<i32>} : memref<512x128xf32, #tpu.memory_space<vmem>>, vector<128x128xf32>,
    %get3A_83 = arith.constant 256 : index
    %get3A_84 = arith.constant 0 : index
    %get3A_85 = vector.load %arg1[%get3A_83, %get3A_84] : memref<512x128xf32, #tpu.memory_space<vmem>>, vector<128x48xf32>
    %get3A_86 = arith.constant 256 : index
    %get3A_87 = arith.constant 0 : index
    %get3A_88 = vector.load %arg2[%get3A_86, %get3A_87] : memref<512x128xf32, #tpu.memory_space<vmem>>, vector<128x128xf32>
    %slice3A_89 = vector.extract_strided_slice %get3A_88 {offsets = [0, 48], sizes = [128, 48], strides = [1, 1]} : vector<128x128xf32> to vector<128x48xf32>
    %slice3A_90 = vector.extract_strided_slice %get3A_88 {offsets = [0, 96], sizes = [128, 32], strides = [1, 1]} : vector<128x128xf32> to vector<128x32xf32>
    %dot_general3A_91 = arith.constant dense<0.000000e+00> : vector<128x128xf32>
    %dot_general3A_92 = tpu.matmul %get3A_85, %slice3A_89, %dot_general3A_91 {dimension_numbers = #tpu.dot_dimension_numbers<[1], [1], [0], [0], [0, 0, 1, 0], [], []>, transpose_lhs_hint = false} : vector<128x48xf32>, vector<128x48xf32>, vector<128x128xf32> -> vector<128x128xf32>
    %mul3A_93 = arith.mulf %get3A_85, %get3A_85 : vector<128x48xf32>
    %reduce_sum3A_94 = arith.constant dense<0.000000e+00> : vector<128xf32>
    %reduce_sum3A_95 = vector.multi_reduction <add>, %mul3A_93, %reduce_sum3A_94 [1] : vector<128x48xf32> to vector<128xf32>
    %broadcast_in_dim3A_96 = vector.shape_cast %reduce_sum3A_95 : vector<128xf32> to vector<128x1xf32>
    %mul3A_97 = arith.constant -5.000000e-01 : f32
    %mul3A_98 = vector.broadcast %mul3A_97 : f32 to vector<128x1xf32>
    %mul3A_99 = arith.mulf %mul3A_98, %broadcast_in_dim3A_96 : vector<128x1xf32>
    %broadcast_in_dim3A_100 = arith.constant 1.000000e+00 : f32
    %broadcast_in_dim3A_101 = vector.broadcast %broadcast_in_dim3A_100 : f32 to vector<1x48xf32>
    %mul3A_102 = arith.mulf %slice3A_89, %slice3A_89 : vector<128x48xf32>
    %dot_general3A_103 = arith.constant dense<0.000000e+00> : vector<1x128xf32>
    %dot_general3A_104 = tpu.matmul %broadcast_in_dim3A_101, %mul3A_102, %dot_general3A_103 {dimension_numbers = #tpu.dot_dimension_numbers<[1], [1], [0], [0], [0, 0, 1, 0], [], []>, precision = #tpu.contract_precision<fp32>, transpose_lhs_hint = false} : vector<1x48xf32>, vector<128x48xf32>, vector<1x128xf32> -> vector<1x128xf32>
    %mul3A_105 = arith.constant -5.000000e-01 : f32
    %mul3A_106 = vector.broadcast %mul3A_105 : f32 to vector<1x128xf32>
    %mul3A_107 = arith.mulf %mul3A_106, %dot_general3A_104 : vector<1x128xf32>
    %add3A_108 = vector.broadcast %mul3A_99 : vector<128x1xf32> to vector<128x128xf32>
    %add3A_109 = arith.addf %dot_general3A_92, %add3A_108 : vector<128x128xf32>
    %add3A_110 = vector.broadcast %mul3A_107 : vector<1x128xf32> to vector<128x128xf32>
    %add3A_111 = arith.addf %add3A_109, %add3A_110 : vector<128x128xf32>
    %min3A_112 = arith.constant 0.000000e+00 : f32
    %min3A_113 = vector.broadcast %min3A_112 : f32 to vector<128x128xf32>
    %min3A_114 = arith.minimumf %add3A_111, %min3A_113 : vector<128x128xf32>
    %exp3A_115 = math.exp %min3A_114 : vector<128x128xf32>
    %reduce_sum3A_116 = arith.constant dense<0.000000e+00> : vector<128xf32>
    %reduce_sum3A_117 = vector.multi_reduction <add>, %exp3A_115, %reduce_sum3A_116 [1] : vector<128x128xf32> to vector<128xf32>
    %broadcast_in_dim3A_118 = vector.shape_cast %reduce_sum3A_117 : vector<128xf32> to vector<128x1xf32>
    %add3A_119 = arith.constant 9.99999968E-21 : f32
    %add3A_120 = vector.broadcast %add3A_119 : f32 to vector<128x1xf32>
    %add3A_121 = arith.addf %broadcast_in_dim3A_118, %add3A_120 : vector<128x1xf32>
    %dot_general3A_122 = arith.constant dense<0.000000e+00> : vector<128x32xf32>
    %dot_general3A_123 = tpu.matmul %exp3A_115, %slice3A_90, %dot_general3A_122 {dimension_numbers = #tpu.dot_dimension_numbers<[1], [0], [0], [1], [0, 0, 1, 1], [], []>, transpose_lhs_hint = false} : vector<128x128xf32>, vector<128x32xf32>, vector<128x32xf32> -> vector<128x32xf32>
    %broadcast_in_dim3A_124 = arith.constant 0.000000e+00 : f32
    %broadcast_in_dim3A_125 = vector.broadcast %broadcast_in_dim3A_124 : f32 to vector<128x95xf32>
    %concatenate3A_126 = tpu.concatenate %dot_general3A_123, %add3A_121, %broadcast_in_dim3A_125 in 1 : vector<128x32xf32>, vector<128x1xf32>, vector<128x95xf32> -> vector<128x128xf32>
    %swap3A_127 = arith.constant 256 : index
    %swap3A_128 = arith.constant 0 : index
    %swap3A_129 = vector.load %arg3[%swap3A_127, %swap3A_128] : memref<512x128xf32, #tpu.memory_space<vmem>>, vector<128x128xf32>
    tpu.vector_store %arg3[%swap3A_127, %swap3A_128], %concatenate3A_126 {strides = array<i32>} : memref<512x128xf32, #tpu.memory_space<vmem>>, vector<128x128xf32>,
    %get3A_130 = arith.constant 384 : index
    %get3A_131 = arith.constant 0 : index
    %get3A_132 = vector.load %arg1[%get3A_130, %get3A_131] : memref<512x128xf32, #tpu.memory_space<vmem>>, vector<128x48xf32>
    %get3A_133 = arith.constant 384 : index
    %get3A_134 = arith.constant 0 : index
    %get3A_135 = vector.load %arg2[%get3A_133, %get3A_134] : memref<512x128xf32, #tpu.memory_space<vmem>>, vector<128x128xf32>
    %slice3A_136 = vector.extract_strided_slice %get3A_135 {offsets = [0, 48], sizes = [128, 48], strides = [1, 1]} : vector<128x128xf32> to vector<128x48xf32>
    %slice3A_137 = vector.extract_strided_slice %get3A_135 {offsets = [0, 96], sizes = [128, 32], strides = [1, 1]} : vector<128x128xf32> to vector<128x32xf32>
    %dot_general3A_138 = arith.constant dense<0.000000e+00> : vector<128x128xf32>
    %dot_general3A_139 = tpu.matmul %get3A_132, %slice3A_136, %dot_general3A_138 {dimension_numbers = #tpu.dot_dimension_numbers<[1], [1], [0], [0], [0, 0, 1, 0], [], []>, transpose_lhs_hint = false} : vector<128x48xf32>, vector<128x48xf32>, vector<128x128xf32> -> vector<128x128xf32>
    %mul3A_140 = arith.mulf %get3A_132, %get3A_132 : vector<128x48xf32>
    %reduce_sum3A_141 = arith.constant dense<0.000000e+00> : vector<128xf32>
    %reduce_sum3A_142 = vector.multi_reduction <add>, %mul3A_140, %reduce_sum3A_141 [1] : vector<128x48xf32> to vector<128xf32>
    %broadcast_in_dim3A_143 = vector.shape_cast %reduce_sum3A_142 : vector<128xf32> to vector<128x1xf32>
    %mul3A_144 = arith.constant -5.000000e-01 : f32
    %mul3A_145 = vector.broadcast %mul3A_144 : f32 to vector<128x1xf32>
    %mul3A_146 = arith.mulf %mul3A_145, %broadcast_in_dim3A_143 : vector<128x1xf32>
    %broadcast_in_dim3A_147 = arith.constant 1.000000e+00 : f32
    %broadcast_in_dim3A_148 = vector.broadcast %broadcast_in_dim3A_147 : f32 to vector<1x48xf32>
    %mul3A_149 = arith.mulf %slice3A_136, %slice3A_136 : vector<128x48xf32>
    %dot_general3A_150 = arith.constant dense<0.000000e+00> : vector<1x128xf32>
    %dot_general3A_151 = tpu.matmul %broadcast_in_dim3A_148, %mul3A_149, %dot_general3A_150 {dimension_numbers = #tpu.dot_dimension_numbers<[1], [1], [0], [0], [0, 0, 1, 0], [], []>, precision = #tpu.contract_precision<fp32>, transpose_lhs_hint = false} : vector<1x48xf32>, vector<128x48xf32>, vector<1x128xf32> -> vector<1x128xf32>
    %mul3A_152 = arith.constant -5.000000e-01 : f32
    %mul3A_153 = vector.broadcast %mul3A_152 : f32 to vector<1x128xf32>
    %mul3A_154 = arith.mulf %mul3A_153, %dot_general3A_151 : vector<1x128xf32>
    %add3A_155 = vector.broadcast %mul3A_146 : vector<128x1xf32> to vector<128x128xf32>
    %add3A_156 = arith.addf %dot_general3A_139, %add3A_155 : vector<128x128xf32>
    %add3A_157 = vector.broadcast %mul3A_154 : vector<1x128xf32> to vector<128x128xf32>
    %add3A_158 = arith.addf %add3A_156, %add3A_157 : vector<128x128xf32>
    %min3A_159 = arith.constant 0.000000e+00 : f32
    %min3A_160 = vector.broadcast %min3A_159 : f32 to vector<128x128xf32>
    %min3A_161 = arith.minimumf %add3A_158, %min3A_160 : vector<128x128xf32>
    %exp3A_162 = math.exp %min3A_161 : vector<128x128xf32>
    %reduce_sum3A_163 = arith.constant dense<0.000000e+00> : vector<128xf32>
    %reduce_sum3A_164 = vector.multi_reduction <add>, %exp3A_162, %reduce_sum3A_163 [1] : vector<128x128xf32> to vector<128xf32>
    %broadcast_in_dim3A_165 = vector.shape_cast %reduce_sum3A_164 : vector<128xf32> to vector<128x1xf32>
    %add3A_166 = arith.constant 9.99999968E-21 : f32
    %add3A_167 = vector.broadcast %add3A_166 : f32 to vector<128x1xf32>
    %add3A_168 = arith.addf %broadcast_in_dim3A_165, %add3A_167 : vector<128x1xf32>
    %dot_general3A_169 = arith.constant dense<0.000000e+00> : vector<128x32xf32>
    %dot_general3A_170 = tpu.matmul %exp3A_162, %slice3A_137, %dot_general3A_169 {dimension_numbers = #tpu.dot_dimension_numbers<[1], [0], [0], [1], [0, 0, 1, 1], [], []>, transpose_lhs_hint = false} : vector<128x128xf32>, vector<128x32xf32>, vector<128x32xf32> -> vector<128x32xf32>
    %broadcast_in_dim3A_171 = arith.constant 0.000000e+00 : f32
    %broadcast_in_dim3A_172 = vector.broadcast %broadcast_in_dim3A_171 : f32 to vector<128x95xf32>
    %concatenate3A_173 = tpu.concatenate %dot_general3A_170, %add3A_168, %broadcast_in_dim3A_172 in 1 : vector<128x32xf32>, vector<128x1xf32>, vector<128x95xf32> -> vector<128x128xf32>
    %swap3A_174 = arith.constant 384 : index
    %swap3A_175 = arith.constant 0 : index
    %swap3A_176 = vector.load %arg3[%swap3A_174, %swap3A_175] : memref<512x128xf32, #tpu.memory_space<vmem>>, vector<128x128xf32>
    tpu.vector_store %arg3[%swap3A_174, %swap3A_175], %concatenate3A_173 {strides = array<i32>} : memref<512x128xf32, #tpu.memory_space<vmem>>, vector<128x128xf32>,
    return
  }
  func.func @transform_0(%arg0: i32) -> (i32, i32) {
    %c0_i32 = arith.constant 0 : i32
    %c0_i32_0 = arith.constant 0 : i32
    return %arg0, %c0_i32 : i32, i32
  }
  func.func @transform_1(%arg0: i32) -> (i32, i32) {
    %c0_i32 = arith.constant 0 : i32
    %c0_i32_0 = arith.constant 0 : i32
    return %arg0, %c0_i32 : i32, i32
  }
  func.func @transform_2(%arg0: i32) -> (i32, i32) {
    %c0_i32 = arith.constant 0 : i32
    %c0_i32_0 = arith.constant 0 : i32
    return %arg0, %c0_i32 : i32, i32
  }
}

module attributes {stable_mosaic.version = 14 : i64} {
  func.func @_fin_body(%arg0: i32, %arg1: memref<24x256x128xf32, #tpu.memory_space<vmem>>, %arg2: memref<256x32xf32, #tpu.memory_space<vmem>>, %arg3: memref<1x32xf32, #tpu.memory_space<vmem>>, %arg4: memref<256x32xf32, #tpu.memory_space<vmem>>) attributes {dimension_semantics = [#tpu.dimension_semantics<arbitrary>], iteration_bounds = array<i64: 64>, scalar_prefetch = 0 : i64, scratch_operands = 0 : i64, tpu.core_type = #tpu.core_type<tc>, window_params = [{transform_indices = @transform_0, window_bounds = array<i64: 24, 256, 128>}, {pipeline_mode = #tpu.pipeline_mode<synchronous>, transform_indices = @transform_1, window_bounds = array<i64: 256, 32>}, {pipeline_mode = #tpu.pipeline_mode<synchronous>, transform_indices = @transform_2, window_bounds = array<i64: 1, 32>}, {transform_indices = @transform_3, window_bounds = array<i64: 256, 32>}]} {
    %get3A = arith.constant 0 : index
    %get3A_0 = arith.constant 0 : index
    %get3A_1 = arith.constant 0 : index
    %get3A_2 = vector.load %arg1[%get3A, %get3A_0, %get3A_1] : memref<24x256x128xf32, #tpu.memory_space<vmem>>, vector<1x256x128xf32>
    %get3A_3 = vector.shape_cast %get3A_2 : vector<1x256x128xf32> to vector<256x128xf32>
    %get3A_4 = arith.constant 8 : index
    %get3A_5 = arith.constant 0 : index
    %get3A_6 = arith.constant 0 : index
    %get3A_7 = vector.load %arg1[%get3A_4, %get3A_5, %get3A_6] : memref<24x256x128xf32, #tpu.memory_space<vmem>>, vector<1x256x128xf32>
    %get3A_8 = vector.shape_cast %get3A_7 : vector<1x256x128xf32> to vector<256x128xf32>
    %add3A = arith.addf %get3A_3, %get3A_8 : vector<256x128xf32>
    %get3A_9 = arith.constant 16 : index
    %get3A_10 = arith.constant 0 : index
    %get3A_11 = arith.constant 0 : index
    %get3A_12 = vector.load %arg1[%get3A_9, %get3A_10, %get3A_11] : memref<24x256x128xf32, #tpu.memory_space<vmem>>, vector<1x256x128xf32>
    %get3A_13 = vector.shape_cast %get3A_12 : vector<1x256x128xf32> to vector<256x128xf32>
    %add3A_14 = arith.addf %add3A, %get3A_13 : vector<256x128xf32>
    %slice3A = vector.extract_strided_slice %add3A_14 {offsets = [0, 0], sizes = [256, 32], strides = [1, 1]} : vector<256x128xf32> to vector<256x32xf32>
    %slice3A_15 = vector.extract_strided_slice %add3A_14 {offsets = [0, 32], sizes = [256, 1], strides = [1, 1]} : vector<256x128xf32> to vector<256x1xf32>
    %div3A = vector.broadcast %slice3A_15 : vector<256x1xf32> to vector<256x32xf32>
    %div3A_16 = arith.divf %slice3A, %div3A : vector<256x32xf32>
    %get3A_17 = arith.constant 0 : index
    %get3A_18 = arith.constant 0 : index
    %get3A_19 = vector.load %arg2[%get3A_17, %get3A_18] : memref<256x32xf32, #tpu.memory_space<vmem>>, vector<32x32xf32>
    %dot_general3A = arith.constant dense<0.000000e+00> : vector<256x32xf32>
    %dot_general3A_20 = tpu.matmul %div3A_16, %get3A_19, %dot_general3A {dimension_numbers = #tpu.dot_dimension_numbers<[1], [0], [0], [1], [0, 0, 1, 1], [], []>, transpose_lhs_hint = false} : vector<256x32xf32>, vector<32x32xf32>, vector<256x32xf32> -> vector<256x32xf32>
    %get3A_21 = arith.constant 1 : index
    %get3A_22 = arith.constant 0 : index
    %get3A_23 = arith.constant 0 : index
    %get3A_24 = vector.load %arg1[%get3A_21, %get3A_22, %get3A_23] : memref<24x256x128xf32, #tpu.memory_space<vmem>>, vector<1x256x128xf32>
    %get3A_25 = vector.shape_cast %get3A_24 : vector<1x256x128xf32> to vector<256x128xf32>
    %get3A_26 = arith.constant 9 : index
    %get3A_27 = arith.constant 0 : index
    %get3A_28 = arith.constant 0 : index
    %get3A_29 = vector.load %arg1[%get3A_26, %get3A_27, %get3A_28] : memref<24x256x128xf32, #tpu.memory_space<vmem>>, vector<1x256x128xf32>
    %get3A_30 = vector.shape_cast %get3A_29 : vector<1x256x128xf32> to vector<256x128xf32>
    %add3A_31 = arith.addf %get3A_25, %get3A_30 : vector<256x128xf32>
    %get3A_32 = arith.constant 17 : index
    %get3A_33 = arith.constant 0 : index
    %get3A_34 = arith.constant 0 : index
    %get3A_35 = vector.load %arg1[%get3A_32, %get3A_33, %get3A_34] : memref<24x256x128xf32, #tpu.memory_space<vmem>>, vector<1x256x128xf32>
    %get3A_36 = vector.shape_cast %get3A_35 : vector<1x256x128xf32> to vector<256x128xf32>
    %add3A_37 = arith.addf %add3A_31, %get3A_36 : vector<256x128xf32>
    %slice3A_38 = vector.extract_strided_slice %add3A_37 {offsets = [0, 0], sizes = [256, 32], strides = [1, 1]} : vector<256x128xf32> to vector<256x32xf32>
    %slice3A_39 = vector.extract_strided_slice %add3A_37 {offsets = [0, 32], sizes = [256, 1], strides = [1, 1]} : vector<256x128xf32> to vector<256x1xf32>
    %div3A_40 = vector.broadcast %slice3A_39 : vector<256x1xf32> to vector<256x32xf32>
    %div3A_41 = arith.divf %slice3A_38, %div3A_40 : vector<256x32xf32>
    %get3A_42 = arith.constant 32 : index
    %get3A_43 = arith.constant 0 : index
    %get3A_44 = vector.load %arg2[%get3A_42, %get3A_43] : memref<256x32xf32, #tpu.memory_space<vmem>>, vector<32x32xf32>
    %dot_general3A_45 = arith.constant dense<0.000000e+00> : vector<256x32xf32>
    %dot_general3A_46 = tpu.matmul %div3A_41, %get3A_44, %dot_general3A_45 {dimension_numbers = #tpu.dot_dimension_numbers<[1], [0], [0], [1], [0, 0, 1, 1], [], []>, transpose_lhs_hint = false} : vector<256x32xf32>, vector<32x32xf32>, vector<256x32xf32> -> vector<256x32xf32>
    %add3A_47 = arith.addf %dot_general3A_20, %dot_general3A_46 : vector<256x32xf32>
    %get3A_48 = arith.constant 2 : index
    %get3A_49 = arith.constant 0 : index
    %get3A_50 = arith.constant 0 : index
    %get3A_51 = vector.load %arg1[%get3A_48, %get3A_49, %get3A_50] : memref<24x256x128xf32, #tpu.memory_space<vmem>>, vector<1x256x128xf32>
    %get3A_52 = vector.shape_cast %get3A_51 : vector<1x256x128xf32> to vector<256x128xf32>
    %get3A_53 = arith.constant 10 : index
    %get3A_54 = arith.constant 0 : index
    %get3A_55 = arith.constant 0 : index
    %get3A_56 = vector.load %arg1[%get3A_53, %get3A_54, %get3A_55] : memref<24x256x128xf32, #tpu.memory_space<vmem>>, vector<1x256x128xf32>
    %get3A_57 = vector.shape_cast %get3A_56 : vector<1x256x128xf32> to vector<256x128xf32>
    %add3A_58 = arith.addf %get3A_52, %get3A_57 : vector<256x128xf32>
    %get3A_59 = arith.constant 18 : index
    %get3A_60 = arith.constant 0 : index
    %get3A_61 = arith.constant 0 : index
    %get3A_62 = vector.load %arg1[%get3A_59, %get3A_60, %get3A_61] : memref<24x256x128xf32, #tpu.memory_space<vmem>>, vector<1x256x128xf32>
    %get3A_63 = vector.shape_cast %get3A_62 : vector<1x256x128xf32> to vector<256x128xf32>
    %add3A_64 = arith.addf %add3A_58, %get3A_63 : vector<256x128xf32>
    %slice3A_65 = vector.extract_strided_slice %add3A_64 {offsets = [0, 0], sizes = [256, 32], strides = [1, 1]} : vector<256x128xf32> to vector<256x32xf32>
    %slice3A_66 = vector.extract_strided_slice %add3A_64 {offsets = [0, 32], sizes = [256, 1], strides = [1, 1]} : vector<256x128xf32> to vector<256x1xf32>
    %div3A_67 = vector.broadcast %slice3A_66 : vector<256x1xf32> to vector<256x32xf32>
    %div3A_68 = arith.divf %slice3A_65, %div3A_67 : vector<256x32xf32>
    %get3A_69 = arith.constant 64 : index
    %get3A_70 = arith.constant 0 : index
    %get3A_71 = vector.load %arg2[%get3A_69, %get3A_70] : memref<256x32xf32, #tpu.memory_space<vmem>>, vector<32x32xf32>
    %dot_general3A_72 = arith.constant dense<0.000000e+00> : vector<256x32xf32>
    %dot_general3A_73 = tpu.matmul %div3A_68, %get3A_71, %dot_general3A_72 {dimension_numbers = #tpu.dot_dimension_numbers<[1], [0], [0], [1], [0, 0, 1, 1], [], []>, transpose_lhs_hint = false} : vector<256x32xf32>, vector<32x32xf32>, vector<256x32xf32> -> vector<256x32xf32>
    %add3A_74 = arith.addf %add3A_47, %dot_general3A_73 : vector<256x32xf32>
    %get3A_75 = arith.constant 3 : index
    %get3A_76 = arith.constant 0 : index
    %get3A_77 = arith.constant 0 : index
    %get3A_78 = vector.load %arg1[%get3A_75, %get3A_76, %get3A_77] : memref<24x256x128xf32, #tpu.memory_space<vmem>>, vector<1x256x128xf32>
    %get3A_79 = vector.shape_cast %get3A_78 : vector<1x256x128xf32> to vector<256x128xf32>
    %get3A_80 = arith.constant 11 : index
    %get3A_81 = arith.constant 0 : index
    %get3A_82 = arith.constant 0 : index
    %get3A_83 = vector.load %arg1[%get3A_80, %get3A_81, %get3A_82] : memref<24x256x128xf32, #tpu.memory_space<vmem>>, vector<1x256x128xf32>
    %get3A_84 = vector.shape_cast %get3A_83 : vector<1x256x128xf32> to vector<256x128xf32>
    %add3A_85 = arith.addf %get3A_79, %get3A_84 : vector<256x128xf32>
    %get3A_86 = arith.constant 19 : index
    %get3A_87 = arith.constant 0 : index
    %get3A_88 = arith.constant 0 : index
    %get3A_89 = vector.load %arg1[%get3A_86, %get3A_87, %get3A_88] : memref<24x256x128xf32, #tpu.memory_space<vmem>>, vector<1x256x128xf32>
    %get3A_90 = vector.shape_cast %get3A_89 : vector<1x256x128xf32> to vector<256x128xf32>
    %add3A_91 = arith.addf %add3A_85, %get3A_90 : vector<256x128xf32>
    %slice3A_92 = vector.extract_strided_slice %add3A_91 {offsets = [0, 0], sizes = [256, 32], strides = [1, 1]} : vector<256x128xf32> to vector<256x32xf32>
    %slice3A_93 = vector.extract_strided_slice %add3A_91 {offsets = [0, 32], sizes = [256, 1], strides = [1, 1]} : vector<256x128xf32> to vector<256x1xf32>
    %div3A_94 = vector.broadcast %slice3A_93 : vector<256x1xf32> to vector<256x32xf32>
    %div3A_95 = arith.divf %slice3A_92, %div3A_94 : vector<256x32xf32>
    %get3A_96 = arith.constant 96 : index
    %get3A_97 = arith.constant 0 : index
    %get3A_98 = vector.load %arg2[%get3A_96, %get3A_97] : memref<256x32xf32, #tpu.memory_space<vmem>>, vector<32x32xf32>
    %dot_general3A_99 = arith.constant dense<0.000000e+00> : vector<256x32xf32>
    %dot_general3A_100 = tpu.matmul %div3A_95, %get3A_98, %dot_general3A_99 {dimension_numbers = #tpu.dot_dimension_numbers<[1], [0], [0], [1], [0, 0, 1, 1], [], []>, transpose_lhs_hint = false} : vector<256x32xf32>, vector<32x32xf32>, vector<256x32xf32> -> vector<256x32xf32>
    %add3A_101 = arith.addf %add3A_74, %dot_general3A_100 : vector<256x32xf32>
    %get3A_102 = arith.constant 4 : index
    %get3A_103 = arith.constant 0 : index
    %get3A_104 = arith.constant 0 : index
    %get3A_105 = vector.load %arg1[%get3A_102, %get3A_103, %get3A_104] : memref<24x256x128xf32, #tpu.memory_space<vmem>>, vector<1x256x128xf32>
    %get3A_106 = vector.shape_cast %get3A_105 : vector<1x256x128xf32> to vector<256x128xf32>
    %get3A_107 = arith.constant 12 : index
    %get3A_108 = arith.constant 0 : index
    %get3A_109 = arith.constant 0 : index
    %get3A_110 = vector.load %arg1[%get3A_107, %get3A_108, %get3A_109] : memref<24x256x128xf32, #tpu.memory_space<vmem>>, vector<1x256x128xf32>
    %get3A_111 = vector.shape_cast %get3A_110 : vector<1x256x128xf32> to vector<256x128xf32>
    %add3A_112 = arith.addf %get3A_106, %get3A_111 : vector<256x128xf32>
    %get3A_113 = arith.constant 20 : index
    %get3A_114 = arith.constant 0 : index
    %get3A_115 = arith.constant 0 : index
    %get3A_116 = vector.load %arg1[%get3A_113, %get3A_114, %get3A_115] : memref<24x256x128xf32, #tpu.memory_space<vmem>>, vector<1x256x128xf32>
    %get3A_117 = vector.shape_cast %get3A_116 : vector<1x256x128xf32> to vector<256x128xf32>
    %add3A_118 = arith.addf %add3A_112, %get3A_117 : vector<256x128xf32>
    %slice3A_119 = vector.extract_strided_slice %add3A_118 {offsets = [0, 0], sizes = [256, 32], strides = [1, 1]} : vector<256x128xf32> to vector<256x32xf32>
    %slice3A_120 = vector.extract_strided_slice %add3A_118 {offsets = [0, 32], sizes = [256, 1], strides = [1, 1]} : vector<256x128xf32> to vector<256x1xf32>
    %div3A_121 = vector.broadcast %slice3A_120 : vector<256x1xf32> to vector<256x32xf32>
    %div3A_122 = arith.divf %slice3A_119, %div3A_121 : vector<256x32xf32>
    %get3A_123 = arith.constant 128 : index
    %get3A_124 = arith.constant 0 : index
    %get3A_125 = vector.load %arg2[%get3A_123, %get3A_124] : memref<256x32xf32, #tpu.memory_space<vmem>>, vector<32x32xf32>
    %dot_general3A_126 = arith.constant dense<0.000000e+00> : vector<256x32xf32>
    %dot_general3A_127 = tpu.matmul %div3A_122, %get3A_125, %dot_general3A_126 {dimension_numbers = #tpu.dot_dimension_numbers<[1], [0], [0], [1], [0, 0, 1, 1], [], []>, transpose_lhs_hint = false} : vector<256x32xf32>, vector<32x32xf32>, vector<256x32xf32> -> vector<256x32xf32>
    %add3A_128 = arith.addf %add3A_101, %dot_general3A_127 : vector<256x32xf32>
    %get3A_129 = arith.constant 5 : index
    %get3A_130 = arith.constant 0 : index
    %get3A_131 = arith.constant 0 : index
    %get3A_132 = vector.load %arg1[%get3A_129, %get3A_130, %get3A_131] : memref<24x256x128xf32, #tpu.memory_space<vmem>>, vector<1x256x128xf32>
    %get3A_133 = vector.shape_cast %get3A_132 : vector<1x256x128xf32> to vector<256x128xf32>
    %get3A_134 = arith.constant 13 : index
    %get3A_135 = arith.constant 0 : index
    %get3A_136 = arith.constant 0 : index
    %get3A_137 = vector.load %arg1[%get3A_134, %get3A_135, %get3A_136] : memref<24x256x128xf32, #tpu.memory_space<vmem>>, vector<1x256x128xf32>
    %get3A_138 = vector.shape_cast %get3A_137 : vector<1x256x128xf32> to vector<256x128xf32>
    %add3A_139 = arith.addf %get3A_133, %get3A_138 : vector<256x128xf32>
    %get3A_140 = arith.constant 21 : index
    %get3A_141 = arith.constant 0 : index
    %get3A_142 = arith.constant 0 : index
    %get3A_143 = vector.load %arg1[%get3A_140, %get3A_141, %get3A_142] : memref<24x256x128xf32, #tpu.memory_space<vmem>>, vector<1x256x128xf32>
    %get3A_144 = vector.shape_cast %get3A_143 : vector<1x256x128xf32> to vector<256x128xf32>
    %add3A_145 = arith.addf %add3A_139, %get3A_144 : vector<256x128xf32>
    %slice3A_146 = vector.extract_strided_slice %add3A_145 {offsets = [0, 0], sizes = [256, 32], strides = [1, 1]} : vector<256x128xf32> to vector<256x32xf32>
    %slice3A_147 = vector.extract_strided_slice %add3A_145 {offsets = [0, 32], sizes = [256, 1], strides = [1, 1]} : vector<256x128xf32> to vector<256x1xf32>
    %div3A_148 = vector.broadcast %slice3A_147 : vector<256x1xf32> to vector<256x32xf32>
    %div3A_149 = arith.divf %slice3A_146, %div3A_148 : vector<256x32xf32>
    %get3A_150 = arith.constant 160 : index
    %get3A_151 = arith.constant 0 : index
    %get3A_152 = vector.load %arg2[%get3A_150, %get3A_151] : memref<256x32xf32, #tpu.memory_space<vmem>>, vector<32x32xf32>
    %dot_general3A_153 = arith.constant dense<0.000000e+00> : vector<256x32xf32>
    %dot_general3A_154 = tpu.matmul %div3A_149, %get3A_152, %dot_general3A_153 {dimension_numbers = #tpu.dot_dimension_numbers<[1], [0], [0], [1], [0, 0, 1, 1], [], []>, transpose_lhs_hint = false} : vector<256x32xf32>, vector<32x32xf32>, vector<256x32xf32> -> vector<256x32xf32>
    %add3A_155 = arith.addf %add3A_128, %dot_general3A_154 : vector<256x32xf32>
    %get3A_156 = arith.constant 6 : index
    %get3A_157 = arith.constant 0 : index
    %get3A_158 = arith.constant 0 : index
    %get3A_159 = vector.load %arg1[%get3A_156, %get3A_157, %get3A_158] : memref<24x256x128xf32, #tpu.memory_space<vmem>>, vector<1x256x128xf32>
    %get3A_160 = vector.shape_cast %get3A_159 : vector<1x256x128xf32> to vector<256x128xf32>
    %get3A_161 = arith.constant 14 : index
    %get3A_162 = arith.constant 0 : index
    %get3A_163 = arith.constant 0 : index
    %get3A_164 = vector.load %arg1[%get3A_161, %get3A_162, %get3A_163] : memref<24x256x128xf32, #tpu.memory_space<vmem>>, vector<1x256x128xf32>
    %get3A_165 = vector.shape_cast %get3A_164 : vector<1x256x128xf32> to vector<256x128xf32>
    %add3A_166 = arith.addf %get3A_160, %get3A_165 : vector<256x128xf32>
    %get3A_167 = arith.constant 22 : index
    %get3A_168 = arith.constant 0 : index
    %get3A_169 = arith.constant 0 : index
    %get3A_170 = vector.load %arg1[%get3A_167, %get3A_168, %get3A_169] : memref<24x256x128xf32, #tpu.memory_space<vmem>>, vector<1x256x128xf32>
    %get3A_171 = vector.shape_cast %get3A_170 : vector<1x256x128xf32> to vector<256x128xf32>
    %add3A_172 = arith.addf %add3A_166, %get3A_171 : vector<256x128xf32>
    %slice3A_173 = vector.extract_strided_slice %add3A_172 {offsets = [0, 0], sizes = [256, 32], strides = [1, 1]} : vector<256x128xf32> to vector<256x32xf32>
    %slice3A_174 = vector.extract_strided_slice %add3A_172 {offsets = [0, 32], sizes = [256, 1], strides = [1, 1]} : vector<256x128xf32> to vector<256x1xf32>
    %div3A_175 = vector.broadcast %slice3A_174 : vector<256x1xf32> to vector<256x32xf32>
    %div3A_176 = arith.divf %slice3A_173, %div3A_175 : vector<256x32xf32>
    %get3A_177 = arith.constant 192 : index
    %get3A_178 = arith.constant 0 : index
    %get3A_179 = vector.load %arg2[%get3A_177, %get3A_178] : memref<256x32xf32, #tpu.memory_space<vmem>>, vector<32x32xf32>
    %dot_general3A_180 = arith.constant dense<0.000000e+00> : vector<256x32xf32>
    %dot_general3A_181 = tpu.matmul %div3A_176, %get3A_179, %dot_general3A_180 {dimension_numbers = #tpu.dot_dimension_numbers<[1], [0], [0], [1], [0, 0, 1, 1], [], []>, transpose_lhs_hint = false} : vector<256x32xf32>, vector<32x32xf32>, vector<256x32xf32> -> vector<256x32xf32>
    %add3A_182 = arith.addf %add3A_155, %dot_general3A_181 : vector<256x32xf32>
    %get3A_183 = arith.constant 7 : index
    %get3A_184 = arith.constant 0 : index
    %get3A_185 = arith.constant 0 : index
    %get3A_186 = vector.load %arg1[%get3A_183, %get3A_184, %get3A_185] : memref<24x256x128xf32, #tpu.memory_space<vmem>>, vector<1x256x128xf32>
    %get3A_187 = vector.shape_cast %get3A_186 : vector<1x256x128xf32> to vector<256x128xf32>
    %get3A_188 = arith.constant 15 : index
    %get3A_189 = arith.constant 0 : index
    %get3A_190 = arith.constant 0 : index
    %get3A_191 = vector.load %arg1[%get3A_188, %get3A_189, %get3A_190] : memref<24x256x128xf32, #tpu.memory_space<vmem>>, vector<1x256x128xf32>
    %get3A_192 = vector.shape_cast %get3A_191 : vector<1x256x128xf32> to vector<256x128xf32>
    %add3A_193 = arith.addf %get3A_187, %get3A_192 : vector<256x128xf32>
    %get3A_194 = arith.constant 23 : index
    %get3A_195 = arith.constant 0 : index
    %get3A_196 = arith.constant 0 : index
    %get3A_197 = vector.load %arg1[%get3A_194, %get3A_195, %get3A_196] : memref<24x256x128xf32, #tpu.memory_space<vmem>>, vector<1x256x128xf32>
    %get3A_198 = vector.shape_cast %get3A_197 : vector<1x256x128xf32> to vector<256x128xf32>
    %add3A_199 = arith.addf %add3A_193, %get3A_198 : vector<256x128xf32>
    %slice3A_200 = vector.extract_strided_slice %add3A_199 {offsets = [0, 0], sizes = [256, 32], strides = [1, 1]} : vector<256x128xf32> to vector<256x32xf32>
    %slice3A_201 = vector.extract_strided_slice %add3A_199 {offsets = [0, 32], sizes = [256, 1], strides = [1, 1]} : vector<256x128xf32> to vector<256x1xf32>
    %div3A_202 = vector.broadcast %slice3A_201 : vector<256x1xf32> to vector<256x32xf32>
    %div3A_203 = arith.divf %slice3A_200, %div3A_202 : vector<256x32xf32>
    %get3A_204 = arith.constant 224 : index
    %get3A_205 = arith.constant 0 : index
    %get3A_206 = vector.load %arg2[%get3A_204, %get3A_205] : memref<256x32xf32, #tpu.memory_space<vmem>>, vector<32x32xf32>
    %dot_general3A_207 = arith.constant dense<0.000000e+00> : vector<256x32xf32>
    %dot_general3A_208 = tpu.matmul %div3A_203, %get3A_206, %dot_general3A_207 {dimension_numbers = #tpu.dot_dimension_numbers<[1], [0], [0], [1], [0, 0, 1, 1], [], []>, transpose_lhs_hint = false} : vector<256x32xf32>, vector<32x32xf32>, vector<256x32xf32> -> vector<256x32xf32>
    %add3A_209 = arith.addf %add3A_182, %dot_general3A_208 : vector<256x32xf32>
    %get3A_210 = arith.constant 0 : index
    %get3A_211 = arith.constant 0 : index
    %get3A_212 = vector.load %arg3[%get3A_210, %get3A_211] : memref<1x32xf32, #tpu.memory_space<vmem>>, vector<1x32xf32>
    %add3A_213 = vector.broadcast %get3A_212 : vector<1x32xf32> to vector<256x32xf32>
    %add3A_214 = arith.addf %add3A_209, %add3A_213 : vector<256x32xf32>
    %swap3A = arith.constant 0 : index
    %swap3A_215 = arith.constant 0 : index
    %swap3A_216 = vector.load %arg4[%swap3A, %swap3A_215] : memref<256x32xf32, #tpu.memory_space<vmem>>, vector<256x32xf32>
    tpu.vector_store %arg4[%swap3A, %swap3A_215], %add3A_214 {strides = array<i32>} : memref<256x32xf32, #tpu.memory_space<vmem>>, vector<256x32xf32>,
    return
  }
  func.func @transform_0(%arg0: i32) -> (i32, i32, i32) {
    %c0_i32 = arith.constant 0 : i32
    %c0_i32_0 = arith.constant 0 : i32
    %c0_i32_1 = arith.constant 0 : i32
    return %c0_i32, %arg0, %c0_i32_0 : i32, i32, i32
  }
  func.func @transform_1(%arg0: i32) -> (i32, i32) {
    %c0_i32 = arith.constant 0 : i32
    %c0_i32_0 = arith.constant 0 : i32
    %c0_i32_1 = arith.constant 0 : i32
    return %c0_i32, %c0_i32_0 : i32, i32
  }
  func.func @transform_2(%arg0: i32) -> (i32, i32) {
    %c0_i32 = arith.constant 0 : i32
    %c0_i32_0 = arith.constant 0 : i32
    %c0_i32_1 = arith.constant 0 : i32
    return %c0_i32, %c0_i32_0 : i32, i32
  }
  func.func @transform_3(%arg0: i32) -> (i32, i32) {
    %c0_i32 = arith.constant 0 : i32
    %c0_i32_0 = arith.constant 0 : i32
    return %arg0, %c0_i32 : i32, i32
  }
}

</mosaic_0001>

<sc_bundles>
// kernel: kernel.6.cloned.1.call-start
scs
__scs_entry_jumppad:
0x0: {  	(pc) =	sbr.rel $0x88, $3  }
0x1: {  	(tag) =	ssettag $0x0;
	lr =	simm.s32 $0x1  }
0x2: {  	[smem:$0x3F95] =	sst lr;
	_ =	strace $0xD0000000  }
0x3: {  	_ = 	snop  }
0x4: {  	_ = 	snop  }
0x5: {  	_ = 	snop  }
0x6: {  	_ = 	snop  }
0x7: {  	_ = 	snop  }
__scs_overlays_trampoline_lowered:
0x8: {  	[smem:$0x3FA4] =	sst s0  }
0x9: {  	[smem:$0x3FA5] =	sst s1  }
0xa: {  	[smem:$0x3FA6] =	sst s2  }
0xb: {  	[smem:$0x3FA7] =	sst s3  }
0xc: {  	[smem:$0x3FA8] =	sst s4  }
0xd: {  	[smem:$0x3FA9] =	sst s5  }
0xe: {  	[smem:$0x3FAA] =	sst s6  }
0xf: {  	[smem:$0x3FAB] =	sst s7  }
0x10: {  	[smem:$0x3FAC] =	sst s8  }
0x11: {  	[smem:$0x3FAD] =	sst s9;
	s0 =	simm.s32 @!p0 $0x0  }
0x12: {  	s1 =	sld [smem:$0x3F93];
	s0 =	simm.s32 @p0 $0x1  }
0x13: {  	[smem:$0x3FAE] =	sst s0;
	s0 =	simm.s32 @!p1 $0x0  }
0x14: {  	s2 =	sld [smem:$0x3F92];
	s0 =	simm.s32 @p1 $0x1  }
0x15: {  	[smem:$0x3FAF] =	sst s0;
	s0 =	simm.s32 @!p2 $0x0  }
0x16: {  	s3 =	sld [smem:$0x3FDB];
	s0 =	simm.s32 @p2 $0x1  }
0x17: {  	s4 =	simm.s32 $0x1BF5;
	[smem:$0x3FB1] =	sst s0  }
0x18: {  	s0 =	sld [smem:$0x3F94];
	_ =	swait.ge [sflag:s4], $0x0  }
0x19: {  	s7 =	sld [smem:$0x3F95]  }
0x1a: {  	s8 =	sadd.s32 $0xFFFFE003, lr  }
0x1b: {  	s9 =	sadd.s32 $0xFFFFFEF7, lr;
	s5 =	simm.s32 $0xFFFFFFFF;
	p2 =	slt.u32 s8, $0xFFFFF086  }
0x1c: {  	p1 =	slt.u32 s9, $0xF7A;
	s5 =	simm.s32 @!p2 $0x0  }
0x1d: {  	s5 =	simm.s32 @p1 $0x1;
	p0 =	seq.s32 s7, s2  }
0x1e: {  	s7 =	smul.u32 @!p0 $0xF7A, s2;
	p2 =	seq.s32 @!p0 s5, $0x0  }
0x1f: {  	s9 =	smul.u32 $0xF7A, s1;
	s8 =	simm.s32 @!p0 $0x1BF5;
	p2 =	por !p2, p0  }
0x20: {  	[sflag:s8] =	ssyncset.s32 @!p0 $0xFFFFF086;
	s6 =	sadd.s32 @!p0 s3, s7;
	s7 =	simm.s32 @!p0 $0x108  }
0x21: {  	s3 =	sadd.s32 s3, s9;
	s6 =	sadd.s32 @!p0 $0x88, s6;
	s7 =	simm.s32 @p2 $0x1082  }
0x22: {  	[simem:s7], [sflag:s8] =	dma.local @!p0 [hbm:s6], $0xF7A  }
0x23: {  	s9 =	sor.u32 $0xD0000000, s2;
	s6 =	simm.s32 $0x108;
	_ =	swait.ge @!p0 [sflag:s8], $0x0  }
0x24: {  	s3 =	sadd.s32 $0x88, s3;
	s6 =	simm.s32 @!p1 $0x1082;
	[sflag:s4] =	ssyncset.s32 $0xFFFFF086  }
0x25: {  	[simem:s6], [sflag:s4] =	dma.local [hbm:s3], $0xF7A  }
0x26: {  	[smem:$0x3F95] =	sst s1;
	(tag) =	ssettag s2;
	_ =	strace s9  }
0x27: {  	s1 =	sld [smem:$0x3FA5]  }
0x28: {  	s2 =	sld [smem:$0x3FA6]  }
0x29: {  	s4 =	sld [smem:$0x3FA8]  }
0x2a: {  	p0 =	seq.s32 s5, $0x0;
	s5 =	sld [smem:$0x3FA9]  }
0x2b: {  	s6 =	sld [smem:$0x3FAA]  }
0x2c: {  	s7 =	sld [smem:$0x3FAB]  }
0x2d: {  	s3 =	simm.s32 $0x108;
	s8 =	sld [smem:$0x3FAC]  }
0x2e: {  	s3 =	simm.s32 @!p0 $0x1082;
	s9 =	sld [smem:$0x3FAD]  }
0x2f: {  	lr =	sadd.s32 s0, s3;
	s0 =	sld [smem:$0x3FA4]  }
0x30: {  	s3 =	sld [smem:$0x3FA7]  }
0x31: {  	[smem:$0x3FB0] =	sst s10  }
0x32: {  	s10 =	sld [smem:$0x3FAE];
	_ =	sdelay $0x3  }
0x33: {  	p0 =	seq.s32 s10, $0x1;
	s10 =	sld [smem:$0x3FB0];
	_ =	sdelay $0x3  }
0x34: {  	[smem:$0x3FB0] =	sst s10  }
0x35: {  	s10 =	sld [smem:$0x3FAF];
	_ =	sdelay $0x3  }
0x36: {  	p1 =	seq.s32 s10, $0x1;
	s10 =	sld [smem:$0x3FB0];
	_ =	sdelay $0x3  }
0x37: {  	[smem:$0x3FB0] =	sst s10  }
0x38: {  	s10 =	sld [smem:$0x3FB1]  }
0x39: {  	_ = 	snop;
	(pc) =	sbr.ind lr, $3  }
0x3a: {  	_ = 	snop  }
0x3b: {  	_ = 	snop  }
0x3c: {  	p2 =	seq.s32 s10, $0x1;
	s10 =	sld [smem:$0x3FB0]  }
0x3d: {  	_ =	shalt  }
0x3e: {  	_ =	shalt  }
0x3f: {  	_ =	shalt  }
0x40: {  	_ =	shalt  }
0x41: {  	_ =	shalt  }
0x42: {  	_ =	shalt  }
0x43: {  	_ =	shalt  }
0x44: {  	_ =	shalt  }
0x45: {  	_ =	shalt  }
0x46: {  	_ =	shalt  }
0x47: {  	_ =	shalt  }
0x48: {  	_ =	shalt  }
0x49: {  	_ =	shalt  }
0x4a: {  	_ =	shalt  }
0x4b: {  	_ =	shalt  }
0x4c: {  	_ =	shalt  }
0x4d: {  	_ =	shalt  }
0x4e: {  	_ =	shalt  }
0x4f: {  	_ =	shalt  }
0x50: {  	_ =	shalt  }
0x51: {  	_ =	shalt  }
0x52: {  	_ =	shalt  }
0x53: {  	_ =	shalt  }
0x54: {  	_ =	shalt  }
0x55: {  	_ =	shalt  }
0x56: {  	_ =	shalt  }
0x57: {  	_ =	shalt  }
0x58: {  	_ =	shalt  }
0x59: {  	_ =	shalt  }
0x5a: {  	_ =	shalt  }
0x5b: {  	_ =	shalt  }
0x5c: {  	_ =	shalt  }
0x5d: {  	_ =	shalt  }
0x5e: {  	_ =	shalt  }
0x5f: {  	_ =	shalt  }
0x60: {  	_ =	shalt  }
0x61: {  	_ =	shalt  }
0x62: {  	_ =	shalt  }
0x63: {  	_ =	shalt  }
0x64: {  	_ =	shalt  }
0x65: {  	_ =	shalt  }
0x66: {  	_ =	shalt  }
0x67: {  	_ =	shalt  }
0x68: {  	_ =	shalt  }
0x69: {  	_ =	shalt  }
0x6a: {  	_ =	shalt  }
0x6b: {  	_ =	shalt  }
0x6c: {  	_ =	shalt  }
0x6d: {  	_ =	shalt  }
0x6e: {  	_ =	shalt  }
0x6f: {  	_ =	shalt  }
0x70: {  	_ =	shalt  }
0x71: {  	_ =	shalt  }
0x72: {  	_ =	shalt  }
0x73: {  	_ =	shalt  }
0x74: {  	_ =	shalt  }
0x75: {  	_ =	shalt  }
0x76: {  	_ =	shalt  }
0x77: {  	_ =	shalt  }
0x78: {  	_ =	shalt  }
0x79: {  	_ =	shalt  }
0x7a: {  	_ =	shalt  }
0x7b: {  	_ =	shalt  }
0x7c: {  	_ =	shalt  }
0x7d: {  	_ =	shalt  }
0x7e: {  	_ =	shalt  }
0x7f: {  	_ =	shalt  }
0x80: {  	_ =	shalt  }
0x81: {  	_ =	shalt  }
0x82: {  	_ =	shalt  }
0x83: {  	_ =	shalt  }
0x84: {  	_ =	shalt  }
0x85: {  	_ =	shalt  }
0x86: {  	_ =	shalt  }
0x87: {  	_ =	shalt  }
.Lfunc_end0:
.L_simem_size_0:
called_computation.1_lowered:
.L_overlay_start_0:
0x88: {  	s2 =	sld [smem:$0x3FD9]  }
0x89: {  	s3 =	sld [smem:$0x3FFE];
	_ =	sdelay $0x1  }
0x8a: {  	s1 =	srdreg.scid  }
0x8b: {  	s0 =	sand.u32 $0x1, s1  }
0x8c: {  	s17 =	sshll.u32 s0, $0xA;
	s2 =	sadd.s32 s3, s2  }
0x8d: {  	s2 =	sadd.s32 s2, s17  }
0x8e: {  	[smem:$0x3FBC] =	sst s2  }
0x8f: {  	_ = 	snop  }
0x90: {  	s2 =	sld [smem:$0x3FD0];
	(tm) =	ssettm $0x1  }
0x91: {  	s18 =	sld [smem:$0x3FFB];
	_ =	sdelay $0x3  }
0x92: {  	_ =	strace s18  }
0x93: {  	s3 =	sld [smem:$0x3FFC];
	_ =	sdelay $0x3  }
0x94: {  	_ =	strace s3  }
0x95: {  	s3 =	sld [smem:$0x3FFD];
	_ =	sdelay $0x3  }
0x96: {  	_ =	strace s3  }
0x97: {  	_ =	strace $0x8FFFFFFF  }
0x98: {  	s19 =	sld [smem:$0x3FDB];
	_ =	sdelay $0x1  }
0x99: {  	s4 =	simm.s32 $_scs_section_size  }
0x9a: {  	s5 =	simm.s32 $_size__tile_overlayer_lowered;
	s6 =	simm.s32 $_tile_overlayer_lowered  }
0x9b: {  	s22 =	simm.s32 $0x1BFF;
	s21 =	sshll.u32 s6, $0x1;
	s3 =	sadd.s32 s4, s19  }
0x9c: {  	s7 =	simm.s32 $0x0;
	s20 =	sshll.u32 s5, $0x1;
	s5 =	sadd.s32 s21, s3  }
0x9d: {  	[timem:s7], [sflag:s22] =	dma.local [hbm:s5], s20  }
0x9e: {  	_ =	swait.ge [sflag:s22], s20  }
0x9f: {  	s4 =	ssub.s32 $0x0, s20;
	[sflag:s22] =	ssyncset.done $0x0  }
0xa0: {  	[sflag:s22] =	ssyncadd.s32 s4;
	_ =	sdelay $0x1  }
0xa1: {  	s23 =	simm.s32 $0x1B8B  }
0xa2: {  	_ =	swait.ge [sflag:s23], $0x1  }
0xa3: {  	[sflag:s23] =	ssyncset.done $0x0  }
0xa4: {  	s25 =	simm.s32 $0x1B8E;
	s24 =	sld [smem:$0x3FFE];
	[sflag:s23] =	ssyncadd.s32 $0xFFFFFFFF  }
0xa5: {  	s26 =	simm.s32 $execute0_lowered;
	[smem:$0x3FD2] =	sst s25  }
0xa6: {  	s5 =	sshll.u32 s26, $0x1;
	_ =	strace $0x80000049;
	[dreg:$0x1] =	wrdreg $0xFFFFFFFF  }
0xa7: {  	s28 =	simm.s32 $_size_execute0_lowered;
	s3 =	sadd.s32 s3, s5;
	[dreg:$0x0] =	wrdreg $0x0  }
0xa8: {  	s5 =	sshll.u32 s28, $0x1;
	[dreg:$0x2] =	wrdreg s3  }
0xa9: {  	[dreg:$0x3] =	wrdreg s5  }
0xaa: {  	[dreg:$0x4] =	wrdreg $0xC0  }
0xab: {  	_ =	task [dreg:s7], $0x5FFFF  }
0xac: {  	[dreg:$0x1] =	wrdreg $0xFFFFFFFF  }
0xad: {  	[dreg:$0x0] =	wrdreg $0x60  }
0xae: {  	[dreg:$0x2] =	wrdreg s24  }
0xaf: {  	[dreg:$0x3] =	wrdreg s2  }
0xb0: {  	[dreg:$0x4] =	wrdreg $0x9  }
0xb1: {  	_ =	task.clear_ibuf [dreg:s7], $0x5FFFF;
	_ =	strace $0x90000049  }
0xb2: {  	s29 =	simm.s32 $0x9;
	_ =	strace $0x8000004B  }
0xb3: {  	_ =	swait.ge [sflag:s29], $0x1  }
0xb4: {  	[sflag:s29] =	ssyncadd.s32 $0xFFFFFFFF  }
0xb5: {  	_ =	strace $0x9000004B  }
0xb6: {  	_ =	sfence  }
0xb7: {  	s30 =	sld [smem:$0x0];
	_ =	sdelay $0x2  }
0xb8: {  	s31 =	sshll.u32 s1, $0xD;
	s1 =	sshrl.u32 s1, $0x2  }
0xb9: {  	s3 =	sand.u32 $0x4000, s31;
	s1 =	sadd.s32 s1, s30  }
0xba: {  	s0 =	sor.u32 s3, s0;
	s1 =	sshll.u32 s1, $0x11  }
0xbb: {  	s0 =	sor.u32 s1, s0  }
0xbc: {  	s0 =	sadd.s32 $0x8F2B, s0  }
0xbd: {  	[sflag:s0] =	ssyncadd.remote.s32 $0x1  }
0xbe: {  	_ =	sfence.sel $0xFFFF  }
0xbf: {  	[dreg:$0x0] =	wrdreg $0xFFFFFFFF;
	(pc) =	sbr.abs _section_cstart, $3  }
0xc0: {  	[dreg:$0x1] =	wrdreg $0xFFFFFFFF  }
0xc1: {  	_ =	task.clear_ibuf [dreg:s7], $0x2FFFF;
	_ =	strace $0x9FFFFFFF  }
0xc2: {  	(tm) =	ssettm $0x7FFFFFFF  }
0xc3: {  	_ =	shalt  }
tec
execute0_lowered:
.L_overlay_start_1:
0x0: {  	(tag) =	ssettag $0x1  }
0x1: {  	s7 =	rddreg [dreg:$0x0];
	s0 =	stileid.u32  }
0x2: {  	s1 =	srdreg.scid;
	s8 =	rddreg [dreg:$0x1];
	s2 =	simm.s32 $0x0  }
0x3: {  	s12 =	simm.s32 $0x4100;
	s13 =	simm.s32 $0x1;
	s4 =	smul.u32 $0x60000, s0  }
0x4: {  	s3 =	sand.u32 $0x1, s1;
	s1 =	rddreg [dreg:$0x2];
	s6 =	smul.u32 $0x6000, s0  }
0x5: {  	s14 =	simm.s32 $0x0;
	[smem:$0x7FF] =	sst s2;
	s5 =	smul.u32 $0x30000, s3  }
0x6: {  	_ =	strace $0x8000004A;
	s9 =	ssub.s32 $0x2, s3;
	s10 =	smul.u32 $0x3000, s3  }
0x7: {  	s3 =	sadd.s32 $0x420200, s7;
	s4 =	sadd.s32 s4, s7;
	s11 =	sshrl.u32 s9, $0x1  }
0x8: {  	s9 =	ssub.s32 s9, s11;
	s30 =	sadd.s32 s5, s4;
	s6 =	sadd.s32 s10, s6  }
0x9: {  	s10 =	simm.s32 $0x80;
	s11 =	simm.s32 $0x100;
	s4 =	smax.u32 s9, $0x1  }
0xa: {  	s5 =	sadd.s32 $0x620200, s30;
	s31 =	sshrl.u32 s6, $0x3;
	s6 =	sadd.s32 $0xC20200, s30  }
0xb: {  	s9 =	simm.s32 $0x2;
	s7 =	sadd.s32 s31, s7;
	s8 =	sadd.s32 s31, s8  }
.LBB2_1:
0xc: {  	s15 =	sadd.s32 $0x0, s8  }
0xd: {  	[tilespmem:s2], [sflag:$0x2] =	stream.linear.gather [hbm4b:s15+s2], $0x80, $0x38;
	[tilespmem:$0x8100] =	vst v63  }
0xe: {  	_ =	swait.ge [sflag:s9], $0x80  }
0xf: {  	[sflag:s9] =	ssyncset.done $0x0  }
0x10: {  	s31 =	sadd.s32 $0x0, s7;
	[sflag:s9] =	ssyncadd.s32 $0xFFFFFF80  }
0x11: {  	[tilespmem:s10], [sflag:$0x2] =	stream.linear.gather [hbm4b:s31+s2], $0x80, $0x38;
	[tilespmem:$0x8100] =	vst v63  }
0x12: {  	_ =	swait.ge [sflag:s9], $0x80  }
0x13: {  	[sflag:s9] =	ssyncset.done $0x0  }
0x14: {  	[sflag:s9] =	ssyncadd.s32 $0xFFFFFF80  }
0x15: {  	[tilespmem:s11], [sflag:$0x1] =	stream.indirect.gather [hbm4b:s3+s10], $0x80, s2, s10, $0xb8;
	[tilespmem:$0x8100] =	vst v63  }
0x16: {  	_ = 	snop  }
0x17: {  	[tilespmem:s12], [sflag:$0x1] =	stream.indirect.gather [hbm4b:s3+s10], $0x80, s10, s10, $0xb8;
	[tilespmem:$0x8100] =	vst v63  }
0x18: {  	_ =	swait.ge [sflag:s13], $0x4000  }
0x19: {  	[sflag:s13] =	ssyncset.done $0x0  }
0x1a: {  	[sflag:s13] =	ssyncadd.s32 $0xFFFFC000  }
0x1b: {  	_ =	swait.ge [sflag:s13], $0x4000  }
0x1c: {  	[sflag:s13] =	ssyncset.done $0x0  }
0x1d: {  	[sflag:s13] =	ssyncadd.s32 $0xFFFFC000  }
0x1e: {  	[hbm4b:s5+s2] =	stream.linear.scatter [tilespmem:s11], [sflag:$0x2], $0x4000, $0x38;
	[tilespmem:$0x8100] =	vst v63  }
0x1f: {  	_ =	swait.ge [sflag:s9], $0x4000  }
0x20: {  	[sflag:s9] =	ssyncset.done $0x0  }
0x21: {  	[sflag:s9] =	ssyncadd.s32 $0xFFFFC000  }
0x22: {  	[hbm4b:s6+s2] =	stream.linear.scatter [tilespmem:s12], [sflag:$0x2], $0x4000, $0x38;
	[tilespmem:$0x8100] =	vst v63  }
0x23: {  	s17 =	simm.s32 $0x10;
	s18 =	simm.s32 $0x20;
	_ =	swait.ge [sflag:s9], $0x4000  }
0x24: {  	s16 =	sadd.s32 $0x800, s5;
	s15 =	sadd.s32 $0x800, s6;
	[sflag:s9] =	ssyncset.done $0x0  }
.LBB2_2:
0x25: {  	s19 =	sadd.s32 s17, s8  }
0x26: {  	[sflag:s9] =	ssyncadd.s32 $0xFFFFC000;
	s20 =	smov.u32 s18;
	s21 =	sadd.s32 $0x10, s18  }
0x27: {  	[tilespmem:s2], [sflag:$0x2] =	stream.linear.gather [hbm4b:s19+s2], $0x80, $0x38;
	[tilespmem:$0x8100] =	vst v63  }
0x28: {  	p0 =	sne.s32 s18, $0x5F0;
	_ =	swait.ge [sflag:s9], $0x80  }
0x29: {  	[sflag:s9] =	ssyncset.done $0x0  }
0x2a: {  	s18 =	sadd.s32 s17, s7;
	s17 =	smov.u32 s20;
	[sflag:s9] =	ssyncadd.s32 $0xFFFFFF80  }
0x2b: {  	[tilespmem:s10], [sflag:$0x2] =	stream.linear.gather [hbm4b:s18+s2], $0x80, $0x38;
	[tilespmem:$0x8100] =	vst v63  }
0x2c: {  	_ =	swait.ge [sflag:s9], $0x80  }
0x2d: {  	[sflag:s9] =	ssyncset.done $0x0  }
0x2e: {  	[sflag:s9] =	ssyncadd.s32 $0xFFFFFF80  }
0x2f: {  	[tilespmem:s11], [sflag:$0x1] =	stream.indirect.gather [hbm4b:s3+s10], $0x80, s2, s10, $0xb8;
	[tilespmem:$0x8100] =	vst v63  }
0x30: {  	_ = 	snop  }
0x31: {  	[tilespmem:s12], [sflag:$0x1] =	stream.indirect.gather [hbm4b:s3+s10], $0x80, s10, s10, $0xb8;
	[tilespmem:$0x8100] =	vst v63  }
0x32: {  	_ =	swait.ge [sflag:s13], $0x4000  }
0x33: {  	[sflag:s13] =	ssyncset.done $0x0  }
0x34: {  	[sflag:s13] =	ssyncadd.s32 $0xFFFFC000  }
0x35: {  	_ =	swait.ge [sflag:s13], $0x4000  }
0x36: {  	[sflag:s13] =	ssyncset.done $0x0  }
0x37: {  	[sflag:s13] =	ssyncadd.s32 $0xFFFFC000  }
0x38: {  	[hbm4b:s16+s2] =	stream.linear.scatter [tilespmem:s11], [sflag:$0x2], $0x4000, $0x38;
	[tilespmem:$0x8100] =	vst v63  }
0x39: {  	_ =	swait.ge [sflag:s9], $0x4000  }
.Ltmp0:
0x3a: {  	[sflag:s9] =	ssyncset.done $0x0;
	(pc) =	sbr.rel @p0 .LBB2_2-.Ltmp0, $4  }
0x3b: {  	[sflag:s9] =	ssyncadd.s32 $0xFFFFC000  }
0x3c: {  	[hbm4b:s15+s2] =	stream.linear.scatter [tilespmem:s12], [sflag:$0x2], $0x4000, $0x38;
	[tilespmem:$0x8100] =	vst v63  }
0x3d: {  	s18 =	smov.u32 s21;
	_ =	swait.ge [sflag:s9], $0x4000  }
0x3e: {  	s16 =	sadd.s32 $0x800, s16;
	s15 =	sadd.s32 $0x800, s15;
	[sflag:s9] =	ssyncset.done $0x0  }
0x3f: {  	s18 =	sadd.s32 s17, s8;
	[sflag:s9] =	ssyncadd.s32 $0xFFFFC000  }
0x40: {  	[tilespmem:s2], [sflag:$0x2] =	stream.linear.gather [hbm4b:s18+s2], $0x80, $0x38;
	[tilespmem:$0x8100] =	vst v63  }
0x41: {  	_ =	swait.ge [sflag:s9], $0x80  }
0x42: {  	[sflag:s9] =	ssyncset.done $0x0  }
0x43: {  	s31 =	sadd.s32 s17, s7;
	[sflag:s9] =	ssyncadd.s32 $0xFFFFFF80  }
0x44: {  	[tilespmem:s10], [sflag:$0x2] =	stream.linear.gather [hbm4b:s31+s2], $0x80, $0x38;
	[tilespmem:$0x8100] =	vst v63  }
0x45: {  	_ =	swait.ge [sflag:s9], $0x80  }
0x46: {  	[sflag:s9] =	ssyncset.done $0x0  }
0x47: {  	[sflag:s9] =	ssyncadd.s32 $0xFFFFFF80  }
0x48: {  	[tilespmem:s11], [sflag:$0x1] =	stream.indirect.gather [hbm4b:s3+s10], $0x80, s2, s10, $0xb8;
	[tilespmem:$0x8100] =	vst v63  }
0x49: {  	_ = 	snop  }
0x4a: {  	[tilespmem:s12], [sflag:$0x1] =	stream.indirect.gather [hbm4b:s3+s10], $0x80, s10, s10, $0xb8;
	[tilespmem:$0x8100] =	vst v63  }
0x4b: {  	_ =	swait.ge [sflag:s13], $0x4000  }
0x4c: {  	[sflag:s13] =	ssyncset.done $0x0  }
0x4d: {  	[sflag:s13] =	ssyncadd.s32 $0xFFFFC000  }
0x4e: {  	_ =	swait.ge [sflag:s13], $0x4000  }
0x4f: {  	[sflag:s13] =	ssyncset.done $0x0  }
0x50: {  	[sflag:s13] =	ssyncadd.s32 $0xFFFFC000  }
0x51: {  	[hbm4b:s16+s2] =	stream.linear.scatter [tilespmem:s11], [sflag:$0x2], $0x4000, $0x38;
	[tilespmem:$0x8100] =	vst v63  }
0x52: {  	s14 =	sadd.s32 $0x1, s14;
	_ =	swait.ge [sflag:s9], $0x4000  }
0x53: {  	p0 =	sne.s32 s14, s4;
	[sflag:s9] =	ssyncset.done $0x0  }
.Ltmp1:
0x54: {  	[sflag:s9] =	ssyncadd.s32 $0xFFFFC000;
	(pc) =	sbr.rel @p0 .LBB2_1-.Ltmp1, $4  }
0x55: {  	[hbm4b:s15+s2] =	stream.linear.scatter [tilespmem:s12], [sflag:$0x2], $0x4000, $0x38;
	[tilespmem:$0x8100] =	vst v63  }
0x56: {  	_ =	swait.ge [sflag:s9], $0x4000  }
0x57: {  	[sflag:s9] =	ssyncset.done $0x0  }
0x58: {  	[sflag:s9] =	ssyncadd.s32 $0xFFFFC000  }
0x59: {  	_ =	sfence.sel $0x180000  }
0x5a: {  	[bflag:$0x0] =	sbarrier.arrive $0xFFFF  }
0x5b: {  	p0 =	sne.s32 s0, $0x0;
	_ =	strace $0x9000004A  }
0x5c: {  	s0 =	sadd.s32 @!p0 $0x100000, s1;
	[bflag:$0x2] =	sbarrier.arrive $0xFFFF  }
0x5d: {  	[sflag:s0] =	ssyncadd.tile.s32 @!p0 $0x1;
	_ =	shalt  }
.Lfunc_end2:
_tile_overlayer_lowered:
.L_overlay_start_2:
0x5e: {  	(tag) =	ssettag $0x2  }
0x5f: {  	s0 =	rddreg [dreg:$0x0];
	s2 =	stileid.u32  }
0x60: {  	s1 =	rddreg [dreg:$0x1];
	p0 =	sne.s32 s2, $0x0  }
0x61: {  	s3 =	rddreg [dreg:$0x2];
	[bflag:$0x3] =	sbarrier.arrive $0xFFFF;
	s2 =	simm.s32 @!p0 $0x1C02  }
0x62: {  	[timem:s3], [sflag:s2] =	dma.local @!p0 [hbm:s0], s1  }
0x63: {  	s0 =	simm.s32 @!p0 $0x2  }
0x64: {  	_ =	swait.ge @!p0 [sflag:s0], s1  }
0x65: {  	s1 =	ssub.s32 @!p0 $0x0, s1;
	[sflag:s0] =	ssyncset.done @!p0 $0x0  }
0x66: {  	[sflag:s0] =	ssyncadd.s32 @!p0 s1  }
0x67: {  	[bflag:$0x3] =	sbarrier.arrive $0xFFFF  }
0x68: {  	_ =	shalt  }

// kernel: kernel.9.cloned.1.call-start
scs
__scs_entry_jumppad:
0x0: {  	(pc) =	sbr.rel $0x88, $3  }
0x1: {  	(tag) =	ssettag $0x0;
	lr =	simm.s32 $0x1  }
0x2: {  	[smem:$0x3F95] =	sst lr;
	_ =	strace $0xD0000000  }
0x3: {  	_ = 	snop  }
0x4: {  	_ = 	snop  }
0x5: {  	_ = 	snop  }
0x6: {  	_ = 	snop  }
0x7: {  	_ = 	snop  }
__scs_overlays_trampoline_lowered:
0x8: {  	[smem:$0x3FA4] =	sst s0  }
0x9: {  	[smem:$0x3FA5] =	sst s1  }
0xa: {  	[smem:$0x3FA6] =	sst s2  }
0xb: {  	[smem:$0x3FA7] =	sst s3  }
0xc: {  	[smem:$0x3FA8] =	sst s4  }
0xd: {  	[smem:$0x3FA9] =	sst s5  }
0xe: {  	[smem:$0x3FAA] =	sst s6  }
0xf: {  	[smem:$0x3FAB] =	sst s7  }
0x10: {  	[smem:$0x3FAC] =	sst s8  }
0x11: {  	[smem:$0x3FAD] =	sst s9;
	s0 =	simm.s32 @!p0 $0x0  }
0x12: {  	s1 =	sld [smem:$0x3F93];
	s0 =	simm.s32 @p0 $0x1  }
0x13: {  	[smem:$0x3FAE] =	sst s0;
	s0 =	simm.s32 @!p1 $0x0  }
0x14: {  	s2 =	sld [smem:$0x3F92];
	s0 =	simm.s32 @p1 $0x1  }
0x15: {  	[smem:$0x3FAF] =	sst s0;
	s0 =	simm.s32 @!p2 $0x0  }
0x16: {  	s3 =	sld [smem:$0x3FDB];
	s0 =	simm.s32 @p2 $0x1  }
0x17: {  	s4 =	simm.s32 $0x1BF5;
	[smem:$0x3FB1] =	sst s0  }
0x18: {  	s0 =	sld [smem:$0x3F94];
	_ =	swait.ge [sflag:s4], $0x0  }
0x19: {  	s7 =	sld [smem:$0x3F95]  }
0x1a: {  	s8 =	sadd.s32 $0xFFFFE003, lr  }
0x1b: {  	s9 =	sadd.s32 $0xFFFFFEF7, lr;
	s5 =	simm.s32 $0xFFFFFFFF;
	p2 =	slt.u32 s8, $0xFFFFF086  }
0x1c: {  	p1 =	slt.u32 s9, $0xF7A;
	s5 =	simm.s32 @!p2 $0x0  }
0x1d: {  	s5 =	simm.s32 @p1 $0x1;
	p0 =	seq.s32 s7, s2  }
0x1e: {  	s7 =	smul.u32 @!p0 $0xF7A, s2;
	p2 =	seq.s32 @!p0 s5, $0x0  }
0x1f: {  	s9 =	smul.u32 $0xF7A, s1;
	s8 =	simm.s32 @!p0 $0x1BF5;
	p2 =	por !p2, p0  }
0x20: {  	[sflag:s8] =	ssyncset.s32 @!p0 $0xFFFFF086;
	s6 =	sadd.s32 @!p0 s3, s7;
	s7 =	simm.s32 @!p0 $0x108  }
0x21: {  	s3 =	sadd.s32 s3, s9;
	s6 =	sadd.s32 @!p0 $0x88, s6;
	s7 =	simm.s32 @p2 $0x1082  }
0x22: {  	[simem:s7], [sflag:s8] =	dma.local @!p0 [hbm:s6], $0xF7A  }
0x23: {  	s9 =	sor.u32 $0xD0000000, s2;
	s6 =	simm.s32 $0x108;
	_ =	swait.ge @!p0 [sflag:s8], $0x0  }
0x24: {  	s3 =	sadd.s32 $0x88, s3;
	s6 =	simm.s32 @!p1 $0x1082;
	[sflag:s4] =	ssyncset.s32 $0xFFFFF086  }
0x25: {  	[simem:s6], [sflag:s4] =	dma.local [hbm:s3], $0xF7A  }
0x26: {  	[smem:$0x3F95] =	sst s1;
	(tag) =	ssettag s2;
	_ =	strace s9  }
0x27: {  	s1 =	sld [smem:$0x3FA5]  }
0x28: {  	s2 =	sld [smem:$0x3FA6]  }
0x29: {  	s4 =	sld [smem:$0x3FA8]  }
0x2a: {  	p0 =	seq.s32 s5, $0x0;
	s5 =	sld [smem:$0x3FA9]  }
0x2b: {  	s6 =	sld [smem:$0x3FAA]  }
0x2c: {  	s7 =	sld [smem:$0x3FAB]  }
0x2d: {  	s3 =	simm.s32 $0x108;
	s8 =	sld [smem:$0x3FAC]  }
0x2e: {  	s3 =	simm.s32 @!p0 $0x1082;
	s9 =	sld [smem:$0x3FAD]  }
0x2f: {  	lr =	sadd.s32 s0, s3;
	s0 =	sld [smem:$0x3FA4]  }
0x30: {  	s3 =	sld [smem:$0x3FA7]  }
0x31: {  	[smem:$0x3FB0] =	sst s10  }
0x32: {  	s10 =	sld [smem:$0x3FAE];
	_ =	sdelay $0x3  }
0x33: {  	p0 =	seq.s32 s10, $0x1;
	s10 =	sld [smem:$0x3FB0];
	_ =	sdelay $0x3  }
0x34: {  	[smem:$0x3FB0] =	sst s10  }
0x35: {  	s10 =	sld [smem:$0x3FAF];
	_ =	sdelay $0x3  }
0x36: {  	p1 =	seq.s32 s10, $0x1;
	s10 =	sld [smem:$0x3FB0];
	_ =	sdelay $0x3  }
0x37: {  	[smem:$0x3FB0] =	sst s10  }
0x38: {  	s10 =	sld [smem:$0x3FB1]  }
0x39: {  	_ = 	snop;
	(pc) =	sbr.ind lr, $3  }
0x3a: {  	_ = 	snop  }
0x3b: {  	_ = 	snop  }
0x3c: {  	p2 =	seq.s32 s10, $0x1;
	s10 =	sld [smem:$0x3FB0]  }
0x3d: {  	_ =	shalt  }
0x3e: {  	_ =	shalt  }
0x3f: {  	_ =	shalt  }
0x40: {  	_ =	shalt  }
0x41: {  	_ =	shalt  }
0x42: {  	_ =	shalt  }
0x43: {  	_ =	shalt  }
0x44: {  	_ =	shalt  }
0x45: {  	_ =	shalt  }
0x46: {  	_ =	shalt  }
0x47: {  	_ =	shalt  }
0x48: {  	_ =	shalt  }
0x49: {  	_ =	shalt  }
0x4a: {  	_ =	shalt  }
0x4b: {  	_ =	shalt  }
0x4c: {  	_ =	shalt  }
0x4d: {  	_ =	shalt  }
0x4e: {  	_ =	shalt  }
0x4f: {  	_ =	shalt  }
0x50: {  	_ =	shalt  }
0x51: {  	_ =	shalt  }
0x52: {  	_ =	shalt  }
0x53: {  	_ =	shalt  }
0x54: {  	_ =	shalt  }
0x55: {  	_ =	shalt  }
0x56: {  	_ =	shalt  }
0x57: {  	_ =	shalt  }
0x58: {  	_ =	shalt  }
0x59: {  	_ =	shalt  }
0x5a: {  	_ =	shalt  }
0x5b: {  	_ =	shalt  }
0x5c: {  	_ =	shalt  }
0x5d: {  	_ =	shalt  }
0x5e: {  	_ =	shalt  }
0x5f: {  	_ =	shalt  }
0x60: {  	_ =	shalt  }
0x61: {  	_ =	shalt  }
0x62: {  	_ =	shalt  }
0x63: {  	_ =	shalt  }
0x64: {  	_ =	shalt  }
0x65: {  	_ =	shalt  }
0x66: {  	_ =	shalt  }
0x67: {  	_ =	shalt  }
0x68: {  	_ =	shalt  }
0x69: {  	_ =	shalt  }
0x6a: {  	_ =	shalt  }
0x6b: {  	_ =	shalt  }
0x6c: {  	_ =	shalt  }
0x6d: {  	_ =	shalt  }
0x6e: {  	_ =	shalt  }
0x6f: {  	_ =	shalt  }
0x70: {  	_ =	shalt  }
0x71: {  	_ =	shalt  }
0x72: {  	_ =	shalt  }
0x73: {  	_ =	shalt  }
0x74: {  	_ =	shalt  }
0x75: {  	_ =	shalt  }
0x76: {  	_ =	shalt  }
0x77: {  	_ =	shalt  }
0x78: {  	_ =	shalt  }
0x79: {  	_ =	shalt  }
0x7a: {  	_ =	shalt  }
0x7b: {  	_ =	shalt  }
0x7c: {  	_ =	shalt  }
0x7d: {  	_ =	shalt  }
0x7e: {  	_ =	shalt  }
0x7f: {  	_ =	shalt  }
0x80: {  	_ =	shalt  }
0x81: {  	_ =	shalt  }
0x82: {  	_ =	shalt  }
0x83: {  	_ =	shalt  }
0x84: {  	_ =	shalt  }
0x85: {  	_ =	shalt  }
0x86: {  	_ =	shalt  }
0x87: {  	_ =	shalt  }
.Lfunc_end0:
.L_simem_size_0:
called_computation.2_lowered:
.L_overlay_start_0:
0x88: {  	s2 =	sld [smem:$0x3FD9]  }
0x89: {  	s3 =	sld [smem:$0x3FFE];
	_ =	sdelay $0x1  }
0x8a: {  	s1 =	srdreg.scid  }
0x8b: {  	s0 =	sand.u32 $0x1, s1  }
0x8c: {  	s16 =	sshll.u32 s0, $0xA;
	s2 =	sadd.s32 s3, s2  }
0x8d: {  	s2 =	sadd.s32 s2, s16  }
0x8e: {  	[smem:$0x3FBC] =	sst s2  }
0x8f: {  	_ = 	snop  }
0x90: {  	(tm) =	ssettm $0x1  }
0x91: {  	s17 =	sld [smem:$0x3FFB];
	_ =	sdelay $0x3  }
0x92: {  	_ =	strace s17  }
0x93: {  	s2 =	sld [smem:$0x3FFC];
	_ =	sdelay $0x3  }
0x94: {  	_ =	strace s2  }
0x95: {  	s2 =	sld [smem:$0x3FFD];
	_ =	sdelay $0x3  }
0x96: {  	_ =	strace s2  }
0x97: {  	_ =	strace $0x8FFFFFFF  }
0x98: {  	s18 =	sld [smem:$0x3FDB];
	_ =	sdelay $0x1  }
0x99: {  	s19 =	simm.s32 $_scs_section_size  }
0x9a: {  	s4 =	simm.s32 $_size__tile_overlayer_lowered;
	s5 =	simm.s32 $_tile_overlayer_lowered  }
0x9b: {  	s22 =	simm.s32 $0x1BFF;
	s21 =	sshll.u32 s5, $0x1;
	s2 =	sadd.s32 s19, s18  }
0x9c: {  	s6 =	simm.s32 $0x0;
	s20 =	sshll.u32 s4, $0x1;
	s4 =	sadd.s32 s21, s2  }
0x9d: {  	[timem:s6], [sflag:s22] =	dma.local [hbm:s4], s20  }
0x9e: {  	_ =	swait.ge [sflag:s22], s20  }
0x9f: {  	s3 =	ssub.s32 $0x0, s20;
	[sflag:s22] =	ssyncset.done $0x0  }
0xa0: {  	[sflag:s22] =	ssyncadd.s32 s3;
	_ =	sdelay $0x1  }
0xa1: {  	s23 =	simm.s32 $0x1B8B  }
0xa2: {  	_ =	swait.ge [sflag:s23], $0x1  }
0xa3: {  	[sflag:s23] =	ssyncset.done $0x0  }
0xa4: {  	s25 =	simm.s32 $0x1B8E;
	s24 =	sld [smem:$0x3FFE];
	[sflag:s23] =	ssyncadd.s32 $0xFFFFFFFF  }
0xa5: {  	s26 =	simm.s32 $execute0_lowered;
	[smem:$0x3FD2] =	sst s25  }
0xa6: {  	s4 =	sshll.u32 s26, $0x1;
	_ =	strace $0x8000004C;
	[dreg:$0x1] =	wrdreg $0xFFFFFFFF  }
0xa7: {  	s28 =	simm.s32 $_size_execute0_lowered;
	s2 =	sadd.s32 s2, s4;
	[dreg:$0x0] =	wrdreg $0x0  }
0xa8: {  	s4 =	sshll.u32 s28, $0x1;
	[dreg:$0x2] =	wrdreg s2  }
0xa9: {  	[dreg:$0x3] =	wrdreg s4  }
0xaa: {  	[dreg:$0x4] =	wrdreg $0xC0  }
0xab: {  	_ =	task [dreg:s6], $0x5FFFF  }
0xac: {  	[dreg:$0x1] =	wrdreg $0xFFFFFFFF  }
0xad: {  	[dreg:$0x0] =	wrdreg $0x60  }
0xae: {  	[dreg:$0x2] =	wrdreg s24  }
0xaf: {  	[dreg:$0x3] =	wrdreg $0x9  }
0xb0: {  	_ =	task.clear_ibuf [dreg:s6], $0x4FFFF;
	_ =	strace $0x9000004C  }
0xb1: {  	s29 =	simm.s32 $0x9;
	_ =	strace $0x8000004E  }
0xb2: {  	_ =	swait.ge [sflag:s29], $0x1  }
0xb3: {  	[sflag:s29] =	ssyncadd.s32 $0xFFFFFFFF  }
0xb4: {  	_ =	strace $0x9000004E  }
0xb5: {  	_ =	sfence  }
0xb6: {  	s30 =	sld [smem:$0x0];
	_ =	sdelay $0x2  }
0xb7: {  	s31 =	sshll.u32 s1, $0xD;
	s1 =	sshrl.u32 s1, $0x2  }
0xb8: {  	s3 =	sand.u32 $0x4000, s31;
	s1 =	sadd.s32 s1, s30  }
0xb9: {  	s0 =	sor.u32 s3, s0;
	s1 =	sshll.u32 s1, $0x11  }
0xba: {  	s0 =	sor.u32 s1, s0  }
0xbb: {  	s0 =	sadd.s32 $0x8F2B, s0  }
0xbc: {  	[sflag:s0] =	ssyncadd.remote.s32 $0x1  }
0xbd: {  	_ =	sfence.sel $0xFFFF  }
0xbe: {  	[dreg:$0x0] =	wrdreg $0xFFFFFFFF;
	(pc) =	sbr.abs _section_cstart, $3  }
0xbf: {  	[dreg:$0x1] =	wrdreg $0xFFFFFFFF  }
0xc0: {  	_ =	task.clear_ibuf [dreg:s6], $0x2FFFF;
	_ =	strace $0x9FFFFFFF  }
0xc1: {  	(tm) =	ssettm $0x7FFFFFFF  }
tec
execute0_lowered:
.L_overlay_start_1:
0x0: {  	(tag) =	ssettag $0x1  }
0x1: {  	s4 =	rddreg [dreg:$0x0]  }
0x2: {  	s0 =	rddreg [dreg:$0x1]  }
0x3: {  	s2 =	simm.s32 $0x0;
	s1 =	stileid.u32;
	s3 =	srdreg.scid  }
0x4: {  	s11 =	simm.s32 $0x0;
	[smem:$0x7FF] =	sst s2;
	s5 =	smul.u32 $0x60000, s1  }
0x5: {  	s6 =	sand.u32 $0x1, s3;
	s8 =	smul.u32 $0xC00, s1;
	s3 =	sadd.s32 $0xC000, s4  }
0x6: {  	_ =	strace $0x8000004D;
	s7 =	ssub.s32 $0x2, s6;
	s10 =	smul.u32 $0x30000, s6  }
0x7: {  	s6 =	smul.u32 $0x600, s6;
	s9 =	sadd.s32 s5, s4;
	s30 =	sshrl.u32 s7, $0x1  }
0x8: {  	s4 =	sadd.s32 $0x618000, s4;
	s5 =	ssub.s32 s7, s30;
	s31 =	sadd.s32 s10, s9  }
0x9: {  	s6 =	sadd.s32 s6, s8;
	s8 =	simm.s32 $0x80;
	s9 =	simm.s32 $0x2  }
0xa: {  	s10 =	simm.s32 $0x1;
	s5 =	smax.u32 s5, $0x1;
	s7 =	sadd.s32 $0x18000, s31  }
.LBB2_1:
0xb: {  	[tilespmem:s8], [sflag:$0x2] =	stream.linear.gather [hbm4b:s7+s2], $0x4000, $0x38;
	[tilespmem:$0x4080] =	vst v63  }
0xc: {  	s12 =	sadd.s32 $0x0, s6;
	s13 =	sand.u32 $0x70, s2;
	_ =	swait.ge [sflag:s9], $0x4000  }
0xd: {  	s12 =	sand.u32 $0xFFFFF80, s12;
	s13 =	sadd.s32 s3, s13;
	[sflag:s9] =	ssyncset.done $0x0  }
0xe: {  	s12 =	sadd.s32 s12, s13;
	[sflag:s9] =	ssyncadd.s32 $0xFFFFC000  }
0xf: {  	[tilespmem:s2], [sflag:$0x2] =	stream.linear.gather [hbm4b:s12+s2], $0x80, $0x38;
	[tilespmem:$0x4080] =	vst v63  }
0x10: {  	_ =	swait.ge [sflag:s9], $0x80  }
0x11: {  	[sflag:s9] =	ssyncset.done $0x0  }
0x12: {  	[sflag:s9] =	ssyncadd.s32 $0xFFFFFF80  }
0x13: {  	[hbm4b:s4+s8] =	stream.indirect.scatter [tilespmem:s8], [sflag:$0x1], $0x80, s2, s8, $0xb8;
	[tilespmem:$0x4080] =	vst v63  }
0x14: {  	_ =	swait.ge [sflag:s10], $0x4000  }
0x15: {  	s13 =	smov.u32 s7;
	s12 =	simm.s32 $0x10;
	[sflag:s10] =	ssyncset.done $0x0  }
.LBB2_2:
0x16: {  	p0 =	sne.s32 s12, $0x5F0;
	[sflag:s10] =	ssyncadd.s32 $0xFFFFC000;
	s13 =	sadd.s32 $0x800, s13  }
0x17: {  	[tilespmem:s8], [sflag:$0x2] =	stream.linear.gather [hbm4b:s13+s2], $0x4000, $0x38;
	[tilespmem:$0x4080] =	vst v63  }
0x18: {  	s14 =	sadd.s32 s12, s6;
	s15 =	sand.u32 $0x70, s12;
	_ =	swait.ge [sflag:s9], $0x4000  }
0x19: {  	s14 =	sand.u32 $0xFFFFF80, s14;
	s15 =	sadd.s32 s3, s15;
	[sflag:s9] =	ssyncset.done $0x0  }
0x1a: {  	s12 =	sadd.s32 $0x10, s12;
	s14 =	sadd.s32 s14, s15;
	[sflag:s9] =	ssyncadd.s32 $0xFFFFC000  }
0x1b: {  	[tilespmem:s2], [sflag:$0x2] =	stream.linear.gather [hbm4b:s14+s2], $0x80, $0x38;
	[tilespmem:$0x4080] =	vst v63  }
0x1c: {  	_ =	swait.ge [sflag:s9], $0x80  }
.Ltmp0:
0x1d: {  	[sflag:s9] =	ssyncset.done $0x0;
	(pc) =	sbr.rel @p0 .LBB2_2-.Ltmp0, $4  }
0x1e: {  	[sflag:s9] =	ssyncadd.s32 $0xFFFFFF80  }
0x1f: {  	[hbm4b:s4+s8] =	stream.indirect.scatter [tilespmem:s8], [sflag:$0x1], $0x80, s2, s8, $0xb8;
	[tilespmem:$0x4080] =	vst v63  }
0x20: {  	_ =	swait.ge [sflag:s10], $0x4000  }
0x21: {  	[sflag:s10] =	ssyncset.done $0x0  }
0x22: {  	s11 =	sadd.s32 $0x1, s11  }
0x23: {  	p0 =	sne.s32 s11, s5  }
.Ltmp1:
0x24: {  	_ = 	snop;
	(pc) =	sbr.rel @p0 .LBB2_1-.Ltmp1, $2  }
0x25: {  	_ =	sdelay $0x2  }
0x26: {  	[sflag:s10] =	ssyncadd.s32 $0xFFFFC000  }
0x27: {  	_ =	sfence.sel $0x180000  }
0x28: {  	[bflag:$0x0] =	sbarrier.arrive $0xFFFF  }
0x29: {  	p0 =	sne.s32 s1, $0x0;
	_ =	strace $0x9000004D  }
0x2a: {  	s0 =	sadd.s32 @!p0 $0x100000, s0;
	[bflag:$0x2] =	sbarrier.arrive $0xFFFF  }
0x2b: {  	[sflag:s0] =	ssyncadd.tile.s32 @!p0 $0x1;
	_ =	shalt  }
.Lfunc_end2:
_tile_overlayer_lowered:
.L_overlay_start_2:
0x2c: {  	(tag) =	ssettag $0x2  }
0x2d: {  	s0 =	rddreg [dreg:$0x0];
	s2 =	stileid.u32  }
0x2e: {  	s1 =	rddreg [dreg:$0x1];
	p0 =	sne.s32 s2, $0x0  }
0x2f: {  	s3 =	rddreg [dreg:$0x2];
	[bflag:$0x3] =	sbarrier.arrive $0xFFFF;
	s2 =	simm.s32 @!p0 $0x1C02  }
0x30: {  	[timem:s3], [sflag:s2] =	dma.local @!p0 [hbm:s0], s1  }
0x31: {  	s0 =	simm.s32 @!p0 $0x2  }
0x32: {  	_ =	swait.ge @!p0 [sflag:s0], s1  }
0x33: {  	s1 =	ssub.s32 @!p0 $0x0, s1;
	[sflag:s0] =	ssyncset.done @!p0 $0x0  }
0x34: {  	[sflag:s0] =	ssyncadd.s32 @!p0 s1  }
0x35: {  	[bflag:$0x3] =	sbarrier.arrive $0xFFFF  }
0x36: {  	_ =	shalt  }

// kernel: sparse-core-data-format-call.cloned.1.call-start
scs
called_computation_lowered:
.L_overlay_start_0:
0x0: {  	s1 =	sld [smem:$0x3FD9]  }
0x1: {  	s2 =	sld [smem:$0x3FFE];
	_ =	sdelay $0x1  }
0x2: {  	s3 =	srdreg.scid  }
0x3: {  	s0 =	sand.u32 $0x1, s3  }
0x4: {  	s17 =	sshll.u32 s0, $0xA;
	s1 =	sadd.s32 s2, s1  }
0x5: {  	s1 =	sadd.s32 s1, s17  }
0x6: {  	[smem:$0x3FBC] =	sst s1  }
0x7: {  	_ = 	snop  }
0x8: {  	(tm) =	ssettm $0x1  }
0x9: {  	s18 =	sld [smem:$0x3FFB];
	_ =	sdelay $0x3  }
0xa: {  	_ =	strace s18  }
0xb: {  	s1 =	sld [smem:$0x3FFC];
	_ =	sdelay $0x3  }
0xc: {  	_ =	strace s1  }
0xd: {  	s1 =	sld [smem:$0x3FFD];
	_ =	sdelay $0x3  }
0xe: {  	_ =	strace s1  }
0xf: {  	_ =	strace $0x8FFFFFFF  }
0x10: {  	s19 =	sld [smem:$0x3FDB];
	_ =	sdelay $0x1  }
0x11: {  	s20 =	simm.s32 $_scs_section_size  }
0x12: {  	s4 =	simm.s32 $_size__tile_overlayer_lowered;
	s5 =	simm.s32 $_tile_overlayer_lowered  }
0x13: {  	s23 =	simm.s32 $0x1BFF;
	s22 =	sshll.u32 s5, $0x1;
	s1 =	sadd.s32 s20, s19  }
0x14: {  	s6 =	simm.s32 $0x0;
	s21 =	sshll.u32 s4, $0x1;
	s4 =	sadd.s32 s22, s1  }
0x15: {  	[timem:s6], [sflag:s23] =	dma.local [hbm:s4], s21  }
0x16: {  	_ =	swait.ge [sflag:s23], s21  }
0x17: {  	s2 =	ssub.s32 $0x0, s21;
	[sflag:s23] =	ssyncset.done $0x0  }
0x18: {  	[sflag:s23] =	ssyncadd.s32 s2;
	_ =	sdelay $0x1  }
0x19: {  	s24 =	simm.s32 $0x1B8B  }
0x1a: {  	_ =	swait.ge [sflag:s24], $0x1  }
0x1b: {  	[sflag:s24] =	ssyncset.done $0x0  }
0x1c: {  	s26 =	simm.s32 $0x1B8E;
	s25 =	sld [smem:$0x3FFE];
	[sflag:s24] =	ssyncadd.s32 $0xFFFFFFFF  }
0x1d: {  	s27 =	simm.s32 $execute0_lowered;
	[smem:$0x3FD2] =	sst s26  }
0x1e: {  	s4 =	sshll.u32 s27, $0x1;
	_ =	strace $0x80000046;
	[dreg:$0x1] =	wrdreg $0xFFFFFFFF  }
0x1f: {  	s28 =	simm.s32 $_size_execute0_lowered;
	s1 =	sadd.s32 s1, s4;
	[dreg:$0x0] =	wrdreg $0x0  }
0x20: {  	s4 =	sshll.u32 s28, $0x1;
	[dreg:$0x2] =	wrdreg s1  }
0x21: {  	[dreg:$0x3] =	wrdreg s4  }
0x22: {  	[dreg:$0x4] =	wrdreg $0xC0  }
0x23: {  	_ =	task [dreg:s6], $0x5FFFF  }
0x24: {  	[dreg:$0x1] =	wrdreg $0xFFFFFFFF  }
0x25: {  	[dreg:$0x0] =	wrdreg $0x60  }
0x26: {  	[dreg:$0x2] =	wrdreg s25  }
0x27: {  	[dreg:$0x3] =	wrdreg $0x9  }
0x28: {  	_ =	task.clear_ibuf [dreg:s6], $0x4FFFF;
	_ =	strace $0x90000046  }
0x29: {  	s29 =	simm.s32 $0x9;
	_ =	strace $0x80000048  }
0x2a: {  	_ =	swait.ge [sflag:s29], $0x1  }
0x2b: {  	[sflag:s29] =	ssyncadd.s32 $0xFFFFFFFF  }
0x2c: {  	_ =	strace $0x90000048  }
0x2d: {  	_ =	sfence  }
0x2e: {  	s30 =	sld [smem:$0x0];
	_ =	sdelay $0x2  }
0x2f: {  	s31 =	sshll.u32 s3, $0xD;
	s3 =	sshrl.u32 s3, $0x2  }
0x30: {  	s2 =	sand.u32 $0x4000, s31;
	s1 =	sadd.s32 s3, s30  }
0x31: {  	s0 =	sor.u32 s2, s0;
	s1 =	sshll.u32 s1, $0x11  }
0x32: {  	s0 =	sor.u32 s1, s0  }
0x33: {  	s0 =	sadd.s32 $0x8F2B, s0  }
0x34: {  	[sflag:s0] =	ssyncadd.remote.s32 $0x1  }
0x35: {  	_ =	sfence.sel $0xFFFF  }
0x36: {  	[dreg:$0x0] =	wrdreg $0xFFFFFFFF;
	(pc) =	sbr.abs _section_cstart, $3  }
0x37: {  	[dreg:$0x1] =	wrdreg $0xFFFFFFFF  }
0x38: {  	_ =	task.clear_ibuf [dreg:s6], $0x2FFFF;
	_ =	strace $0x9FFFFFFF  }
0x39: {  	(tm) =	ssettm $0x7FFFFFFF  }
tec
execute0_lowered:
.L_overlay_start_1:
0x0: {  	(tag) =	ssettag $0x1  }
0x1: {  	s0 =	stileid.u32  }
0x2: {  	s1 =	srdreg.scid;
	s4 =	rddreg [dreg:$0x0]  }
0x3: {  	s7 =	simm.s32 $0x1;
	s8 =	simm.s32 $0x2;
	s15 =	simm.s32 $0x0  }
0x4: {  	s13 =	simm.s32 $0x0;
	s2 =	sshll.u32 s0, $0x4;
	s1 =	sshll.u32 s1, $0x8  }
0x5: {  	s14 =	simm.s32 $0x0;
	s10 =	simm.s32 $0x0;
	s2 =	sor.u32 s2, s1  }
0x6: {  	s12 =	simm.s32 $0x0;
	s3 =	sadd.s32 $0x220200, s4;
	s2 =	sand.u32 $0x180, s2  }
0x7: {  	s4 =	sadd.s32 $0x420200, s4;
	s1 =	rddreg [dreg:$0x1];
	s6 =	ssub.s32 $0x4000, s2  }
.Ltmp0:
0x8: {  	_ =	strace $0x80000047;
	s5 =	sand.u32 $0x180, s6;
	(pc) =	sbr.rel .LBB1_1-.Ltmp0, $4  }
0x9: {  	s9 =	smov.u32 s2;
	p0 =	sne.s32 s5, $0x0;
	s5 =	simm.s32 $0x1  }
0xa: {  	s6 =	sshrl.u32 s6, $0x9;
	s7 =	simm.s32 @!p0 $0x0;
	[sflag:s5] =	ssyncpa.u1 $0x0  }
0xb: {  	p0 =	por $0x0, $0x0;
	s6 =	sadd.s32 s7, s6;
	s7 =	sand.u32 $0x7, s0  }
0xc: {  	[sflag:s8] =	ssyncpa.u1 $0x0;
	s8 =	sadd.s32 $0x1, s6;
	s11 =	smov.u32 s7  }
.LBB1_4:
0xd: {  	v5 =	vld [tilespmem:s19+$0xFFFFFFD0];
	[tilespmem:s18+$0x2040 ss:$0x81] =	vst.msk $0xffff, v1  }
0xe: {  	v58 =	vld [tilespmem:s19+$0xFFFFFFE0];
	[tilespmem:s18+$0x2850 ss:$0x81] =	vst.msk $0xffff, v2  }
0xf: {  	s20 =	sshra.s32 s20, $0x2;
	v59 =	vld [tilespmem:s19+$0xFFFFFFF0];
	[tilespmem:s18+$0x3060 ss:$0x81] =	vst.msk $0xffff, v3  }
0x10: {  	v60 =	vld [tilespmem:s19+$0x0];
	[tilespmem:s18+$0x0 ss:$0x81] =	vst.msk $0xffff, v0;
	s17 =	sadd.s32 s20, s17  }
0x11: {  	v61 =	vld [tilespmem:s19+$0x10];
	[tilespmem:s17+$0x3870 ss:$0x81] =	vst.msk $0xffff, v4  }
0x12: {  	v62 =	vld [tilespmem:s19+$0x20];
	s15 =	sshll.u32 s15, $0x7;
	s28 =	sshll.u32 s13, $0x3;
	[tilespmem:s17+$0x810 ss:$0x81] =	vst.msk $0xffff, v5  }
0x13: {  	v63 =	vld [tilespmem:s19+$0xFFFFFFC0];
	s29 =	sand.u32 $0x1FFC00, s15;
	s18 =	sand.u32 $0x1FFC00, s28;
	[tilespmem:s17+$0x1020 ss:$0x81] =	vst.msk $0xffff, v58  }
0x14: {  	s15 =	sand.u32 $0x380, s15;
	s18 =	sadd.s32 s18, s29;
	[tilespmem:s17+$0x1830 ss:$0x81] =	vst.msk $0xffff, v59  }
0x15: {  	s14 =	sshll.u32 s14, $0x12;
	s30 =	sshrl.u32 s13, $0x3;
	s15 =	sor.u32 s15, s18;
	[tilespmem:s17+$0x2040 ss:$0x81] =	vst.msk $0xffff, v60  }
0x16: {  	s14 =	sadd.s32 s4, s14;
	s18 =	sand.u32 $0xF, s30;
	s15 =	sshrl.u32 s15, $0x3;
	[tilespmem:s17+$0x2850 ss:$0x81] =	vst.msk $0xffff, v61  }
0x17: {  	s14 =	sadd.s32 s18, s14;
	[tilespmem:s17+$0x3060 ss:$0x81] =	vst.msk $0xffff, v62;
	s15 =	sand.u32 $0x3FFF0, s15  }
0x18: {  	s31 =	sand.u32 $0x7, s13;
	[tilespmem:s17+$0x0 ss:$0x81] =	vst.msk $0xffff, v63;
	s14 =	sadd.s32 s15, s14  }
0x19: {  	[hbm4b:s14+s31] =	stream.linear.scatter [tilespmem:s16], [sflag:$0x2], $0x4000, $0x20;
	[tilespmem:$0x10100] =	vst v63  }
.LBB1_5:
0x1a: {  	s16 =	sadd.s32 $0x200, s9  }
0x1b: {  	s13 =	sadd.s32 $0x80, s10;
	s17 =	smov.u32 s10;
	p2 =	sgt.s32 s16, $0x3FFF  }
0x1c: {  	s17 =	smov.u32 @p2 s13  }
0x1d: {  	s19 =	smov.u32 s11;
	s13 =	sadd.s32 $0x8, s11;
	p3 =	sgt.s32 s17, $0x7F  }
0x1e: {  	s19 =	smov.u32 @p3 s13  }
0x1f: {  	s16 =	smov.u32 @p2 s2;
	p2 =	sgt.s32 s19, $0x7  }
0x20: {  	p1 =	slt.u32 s12, $0x2;
	s19 =	smov.u32 @p2 s7;
	p2 =	sne.s32 s12, s8  }
.Ltmp1:
0x21: {  	s18 =	simm.s32 @!p1 $0x2;
	(pc) =	sbr.rel @!p2 .LBB1_6-.Ltmp1, $4  }
0x22: {  	s15 =	smov.u32 s9;
	s14 =	smov.u32 s11;
	_ =	swait.ge @!p1 [sflag:s18], $0x4000  }
0x23: {  	p0 =	por !p0, !p0;
	[sflag:s18] =	ssyncset.done @!p1 $0x0;
	s9 =	smov.u32 s16  }
0x24: {  	s17 =	simm.s32 @p3 $0x0;
	s13 =	smov.u32 s10;
	[sflag:s18] =	ssyncadd.s32 @!p1 $0xFFFFC000  }
0x25: {  	s10 =	smov.u32 s17;
	s12 =	sadd.s32 $0x1, s12;
	s11 =	smov.u32 s19  }
.LBB1_1:
0x26: {  	p1 =	sge.u32 s12, s6;
	s31 =	sadd.s32 $0xFFFFFFFF, s12  }
0x27: {  	s16 =	sxor.u32 @!p1 $0xFFFFFFFF, s12;
	s17 =	sand.u32 @!p1 $0x78, s9;
	s18 =	sshll.u32 @!p1 s10, $0xE  }
0x28: {  	s19 =	sshll.u32 @!p1 s10, $0x7;
	s20 =	sshll.u32 @!p1 s9, $0x3;
	s16 =	sshll.u32 @!p1 s16, $0xE  }
0x29: {  	s18 =	sand.u32 @!p1 $0x1E0000, s18;
	s19 =	sand.u32 @!p1 $0x380, s19;
	s16 =	sand.u32 @!p1 $0x4000, s16  }
0x2a: {  	s18 =	sadd.s32 @!p1 s18, s20;
	s20 =	sand.u32 @!p1 $0x3C00, s20;
	s17 =	sor.u32 @!p1 s19, s17  }
0x2b: {  	s19 =	sshll.u32 @!p1 s11, $0x12;
	s17 =	sor.u32 @!p1 s20, s17;
	s18 =	sshrl.u32 @!p1 s18, $0x3  }
0x2c: {  	s19 =	sadd.s32 @!p1 s3, s19;
	s20 =	sand.u32 @!p1 $0x7, s9;
	s18 =	sand.u32 @!p1 $0x3F800, s18  }
0x2d: {  	s17 =	sshrl.u32 @!p1 s17, $0x3;
	s18 =	sadd.s32 @!p1 s18, s19;
	s19 =	sshll.u32 @!p1 s20, $0x12  }
0x2e: {  	s17 =	sadd.s32 @!p1 s17, s18;
	s18 =	sor.u32 @!p1 $0x400, s19;
	s19 =	simm.s32 @!p1 $0x20000  }
0x2f: {  	[tilespmem:s16], [sflag:$0x1] =	stream.strided.gather @!p1 [hbm4b:s17+s18], $0x4000, s19, s18, $0x38;
	[tilespmem:$0x10100] =	vst v63  }
0x30: {  	p1 =	sge.u32 s31, s6  }
.Ltmp2:
0x31: {  	_ = 	snop;
	(pc) =	sbr.rel @p1 .LBB1_5-.Ltmp2, $1  }
0x32: {  	_ =	sdelay $0x3  }
0x33: {  	s16 =	simm.s32 $0x1  }
0x34: {  	_ =	swait.ge [sflag:s5], $0x4000;
	s16 =	simm.s32 @!p0 $0x0  }
0x35: {  	[sflag:s5] =	ssyncset.done $0x0;
	s17 =	sshll.u32 s16, $0xE  }
0x36: {  	[sflag:s5] =	ssyncadd.s32 $0xFFFFC000;
	s19 =	sor.u32 $0x40, s17  }
0x37: {  	s16 =	smul.u32 $0x10200, s16;
	v0 =	vld [tilespmem:s19+$0x30]  }
0x38: {  	v3 =	vld [tilespmem:s19+$0xFFFFFFD0]  }
0x39: {  	s16 =	sshrl.u32 s16, $0x2;
	v4 =	vld [tilespmem:s19+$0xFFFFFFE0]  }
0x3a: {  	v5 =	vld [tilespmem:s19+$0xFFFFFFF0];
	s17 =	sor.u32 $0x8000, s16  }
0x3b: {  	s31 =	sand.u32 $0x1, s12;
	v1 =	vld [tilespmem:s19+$0x0];
	s18 =	sadd.s32 $0x0, s17  }
0x3c: {  	v2 =	vld [tilespmem:s19+$0x10];
	s16 =	smul.u32 $0x10200, s31;
	[tilespmem:s18+$0x3870 ss:$0x81] =	vst.msk $0xffff, v0  }
0x3d: {  	[tilespmem:s18+$0x810 ss:$0x81] =	vst.msk $0xffff, v3;
	v3 =	vld [tilespmem:s19+$0x20]  }
0x3e: {  	s16 =	sshrl.u32 s16, $0x2;
	v0 =	vld [tilespmem:s19+$0xFFFFFFC0];
	[tilespmem:s18+$0x1020 ss:$0x81] =	vst.msk $0xffff, v4;
	s19 =	sadd.s32 $0x80, s19  }
0x3f: {  	s20 =	simm.s32 $0x4;
	s21 =	simm.s32 $0x8;
	s16 =	sor.u32 $0x8000, s16;
	[tilespmem:s18+$0x1830 ss:$0x81] =	vst.msk $0xffff, v5;
	v4 =	vld [tilespmem:s19+$0x30]  }
.LBB1_3:
0x40: {  	p1 =	sne.s32 s21, $0x1FC;
	v5 =	vld [tilespmem:s19+$0xFFFFFFD0];
	[tilespmem:s18+$0x2040 ss:$0x81] =	vst.msk $0xffff, v1  }
0x41: {  	v6 =	vld [tilespmem:s19+$0xFFFFFFE0];
	[tilespmem:s18+$0x2850 ss:$0x81] =	vst.msk $0xffff, v2  }
0x42: {  	s22 =	sshra.s32 s20, $0x2;
	s20 =	smov.u32 s21;
	v7 =	vld [tilespmem:s19+$0xFFFFFFF0];
	[tilespmem:s18+$0x3060 ss:$0x81] =	vst.msk $0xffff, v3  }
.Ltmp3:
0x43: {  	v1 =	vld [tilespmem:s19+$0x0];
	[tilespmem:s18+$0x0 ss:$0x81] =	vst.msk $0xffff, v0;
	s18 =	sadd.s32 s22, s17;
	(pc) =	sbr.rel @p1 .LBB1_3-.Ltmp3, $4  }
0x44: {  	v2 =	vld [tilespmem:s19+$0x10];
	[tilespmem:s18+$0x3870 ss:$0x81] =	vst.msk $0xffff, v4  }
0x45: {  	[tilespmem:s18+$0x810 ss:$0x81] =	vst.msk $0xffff, v5;
	v3 =	vld [tilespmem:s19+$0x20]  }
0x46: {  	v0 =	vld [tilespmem:s19+$0xFFFFFFC0];
	[tilespmem:s18+$0x1020 ss:$0x81] =	vst.msk $0xffff, v6;
	s19 =	sadd.s32 $0x80, s19  }
0x47: {  	s21 =	sadd.s32 $0x4, s21;
	v4 =	vld [tilespmem:s19+$0x30];
	[tilespmem:s18+$0x1830 ss:$0x81] =	vst.msk $0xffff, v7  }
.Ltmp4:
0x48: {  	_ = 	snop;
	(pc) =	sbr.rel .LBB1_4-.Ltmp4, $1  }
0x49: {  	_ =	sdelay $0x3  }
.LBB1_6:
0x4a: {  	_ =	sfence.sel $0x180000  }
0x4b: {  	s2 =	simm.s32 $0x1;
	[bflag:$0x0] =	sbarrier.arrive $0xFFFF  }
0x4c: {  	s31 =	simm.s32 $0x2;
	[sflag:s2] =	ssyncpa.u1 $0x1  }
0x4d: {  	[sflag:s31] =	ssyncpa.u1 $0x1  }
0x4e: {  	p0 =	sne.s32 s0, $0x0;
	_ =	strace $0x90000047  }
0x4f: {  	s0 =	sadd.s32 @!p0 $0x100000, s1;
	[bflag:$0x2] =	sbarrier.arrive $0xFFFF  }
0x50: {  	[sflag:s0] =	ssyncadd.tile.s32 @!p0 $0x1;
	_ =	shalt  }
.Lfunc_end1:
_tile_overlayer_lowered:
.L_overlay_start_2:
0x51: {  	(tag) =	ssettag $0x2  }
0x52: {  	s0 =	rddreg [dreg:$0x0];
	s2 =	stileid.u32  }
0x53: {  	s1 =	rddreg [dreg:$0x1];
	p0 =	sne.s32 s2, $0x0  }
0x54: {  	s3 =	rddreg [dreg:$0x2];
	[bflag:$0x3] =	sbarrier.arrive $0xFFFF;
	s2 =	simm.s32 @!p0 $0x1C01  }
0x55: {  	[timem:s3], [sflag:s2] =	dma.local @!p0 [hbm:s0], s1  }
0x56: {  	s0 =	simm.s32 @!p0 $0x1  }
0x57: {  	_ =	swait.ge @!p0 [sflag:s0], s1  }
0x58: {  	s1 =	ssub.s32 @!p0 $0x0, s1;
	[sflag:s0] =	ssyncset.done @!p0 $0x0  }
0x59: {  	[sflag:s0] =	ssyncadd.s32 @!p0 s1  }
0x5a: {  	[bflag:$0x3] =	sbarrier.arrive $0xFFFF  }
0x5b: {  	_ =	shalt  }

</sc_bundles>
